<compile_context>
chip_gen: v7x
topology: tpu7x:2x2x1
jax: 0.10.2.dev20260603
libtpu: 0.0.44.dev20260713+nightly
codegen_flags: <defaults>
</compile_context>

<pallas_src>
import functools
import math

import jax
import jax.numpy as jnp
from jax import lax
from jax.experimental import pallas as pl
from jax.experimental.pallas import tpu as pltpu
from jax.experimental.pallas import tpu_sc as plsc

D = 128
SCALE = math.sqrt(float(D))

NC = 2
NS = 16
NW = NC * NS
C = 128
CB = 256
LANES = 16


def _scale_rows(src, dst):

    def body(r, _):
        for l in range(D // LANES):
            off = l * LANES
            dst[r, pl.ds(off, LANES)] = src[r, pl.ds(off, LANES)] * SCALE
        return 0

    lax.fori_loop(0, C, body, 0)


def _make_emb(B, NI):
    NK = NI // CB
    mesh = plsc.VectorSubcoreMesh(core_axis_name="c", subcore_axis_name="s")

    @functools.partial(
        pl.kernel,
        mesh=mesh,
        out_type=jax.ShapeDtypeStruct((B, D), jnp.float32),
        scratch_types=[
            pltpu.VMEM((NI,), jnp.int32),
            pltpu.VMEM((2, CB, D), jnp.float32),
            pltpu.VMEM((2, C, D), jnp.float32),
            pltpu.SemaphoreType.DMA,
            pltpu.SemaphoreType.DMA,
            pltpu.SemaphoreType.DMA,
            pltpu.SemaphoreType.DMA,
        ],
    )
    def emb(table_hbm, idx_hbm, out_hbm, idx_v, g_ref, s_ref, gs0, gs1, ss0, ss1):
        cid = lax.axis_index("c")
        sid = lax.axis_index("s")
        wid = sid * NC + cid
        base_row = wid * NI

        pltpu.sync_copy(idx_hbm.at[wid], idx_v)

        gsems = (gs0, gs1)
        ssems = (ss0, ss1)

        def gather_start(k, kb):
            pltpu.make_async_copy(
                table_hbm.at[idx_v.at[pl.ds(k * CB, CB)]], g_ref.at[kb], gsems[kb]
            ).start()

        def gather_wait(k, kb):
            pltpu.make_async_copy(
                table_hbm.at[idx_v.at[pl.ds(k * CB, CB)]], g_ref.at[kb], gsems[kb]
            ).wait()

        def scatter_start(k, h):
            pltpu.make_async_copy(
                s_ref.at[h],
                out_hbm.at[pl.ds(base_row + k * CB + h * C, C)],
                ssems[h],
            ).start()

        def scatter_wait(k, h):
            pltpu.make_async_copy(
                s_ref.at[h],
                out_hbm.at[pl.ds(base_row + k * CB + h * C, C)],
                ssems[h],
            ).wait()

        def big_body(k, kb, wait_sc, issue_next):
            gather_wait(k, kb)
            for h in range(2):
                if wait_sc is None:
                    scatter_wait(k - 1, h)
                elif wait_sc is not False:
                    pl.when(wait_sc)(lambda: scatter_wait(k - 1, h))
                _scale_rows(g_ref.at[kb].at[pl.ds(h * C, C)], s_ref.at[h])
                scatter_start(k, h)
            if issue_next is None:
                gather_start(k + 2, kb)
            elif issue_next is not False:
                pl.when(issue_next)(lambda: gather_start(k + 2, kb))

        gather_start(0, 0)
        gather_start(1, 1)

        def main(gi, _):
            big_body(2 * gi, 0, gi >= 1, None)
            big_body(2 * gi + 1, 1, None, gi <= NK // 2 - 2)
            return 0

        lax.fori_loop(0, NK // 2, main, 0)
        big_body(NK - 1, (NK - 1) % 2, None, False)

        scatter_wait(NK - 1, 0)
        scatter_wait(NK - 1, 1)

    return emb


def kernel(tokens, table):
    n, t = tokens.shape
    B = n * t
    NI = B // NW
    idx = tokens.reshape(-1).astype(jnp.int32).reshape(NW, NI)
    out = _make_emb(B, NI)(table, idx)
    return out.reshape(n, t, D)

# --- scband reference (transcript-rebuilt; emitter-appended) ---
"""Pipeline reference for scband-token-embedding-54803782697025 (READ-ONLY COPY).

The authoritative reference and input builder live on the scoring server;
editing this copy changes nothing except your own understanding.
"""

import jax, jax.numpy as jnp
import numpy as np
import math

VOCAB = 100000
EMB = 128

def setup_inputs(seed: int = 0) -> dict:
    key = jax.random.key(seed)
    k1, k2 = jax.random.split(key)
    tokens = jax.random.randint(k1, (1024, 200), 0, VOCAB, dtype=jnp.int64)
    table = jax.random.normal(k2, (VOCAB, EMB), dtype=jnp.float32)
    return {"tokens": tokens, "table": table}

def reference(tokens, table):
    emb = jnp.take(table, tokens.astype(jnp.int64), axis=0)
    return emb * math.sqrt(EMB)

if __name__ == "__main__":
    import jax
    _d = setup_inputs()
    print(jax.jit(kernel)(*tuple(_d.values())))

</pallas_src>

<mosaic_0001>
#map = affine_map<(d0, d1) -> (0, 0)>
module attributes {stable_mosaic.version = 14 : i64} {
  func.func @emb(%arg0: i32, %arg1: i32, %arg2: memref<100000x128xf32, #tpu.memory_space<hbm>>, %arg3: memref<32x6400xi32, #tpu.memory_space<hbm>>, %arg4: memref<204800x128xf32, #tpu.memory_space<hbm>>, %arg5: memref<6400xi32, #tpu.memory_space<vmem>>, %arg6: memref<2x256x128xf32, #tpu.memory_space<vmem>>, %arg7: memref<2x128x128xf32, #tpu.memory_space<vmem>>, %arg8: memref<!tpu.dma_semaphore, #tpu.memory_space<semaphore_mem>>, %arg9: memref<!tpu.dma_semaphore, #tpu.memory_space<semaphore_mem>>, %arg10: memref<!tpu.dma_semaphore, #tpu.memory_space<semaphore_mem>>, %arg11: memref<!tpu.dma_semaphore, #tpu.memory_space<semaphore_mem>>) attributes {dimension_semantics = [#tpu.dimension_semantics<core_parallel>, #tpu.dimension_semantics<subcore_parallel>], iteration_bounds = array<i64: 2, 16>, scalar_prefetch = 0 : i64, scratch_operands = 7 : i64, tpu.core_type = #tpu.core_type<sc_vector_subcore>, window_params = [{transform_indices = #map}, {transform_indices = #map}, {transform_indices = #map}]} {
    %mul3A = arith.constant 2 : i32
    %mul3A_0 = arith.muli %arg1, %mul3A : i32
    %add3A = arith.addi %mul3A_0, %arg0 : i32
    %mul3A_1 = arith.constant 6400 : i32
    %mul3A_2 = arith.muli %add3A, %mul3A_1 : i32
    "tpu.region"() ({
      %run_scoped3A = tpu.sem_alloc : memref<!tpu.dma_semaphore, #tpu.memory_space<semaphore_mem>>
      %dma_start3A_157 = arith.constant 0 : i32
      %dma_start3A_158 = tpu.memref_slice %arg3[%add3A, %dma_start3A_157] : memref<32x6400xi32, #tpu.memory_space<hbm>> -> memref<1x6400xi32, #tpu.memory_space<hbm>>
      %dma_start3A_159 = tpu.memref_squeeze %dma_start3A_158 : memref<1x6400xi32, #tpu.memory_space<hbm>> -> memref<6400xi32, #tpu.memory_space<hbm>>
      %dma_start3A_160 = arith.constant 0 : i32
      %dma_start3A_161 = tpu.memref_slice %arg3[%add3A, %dma_start3A_160] : memref<32x6400xi32, #tpu.memory_space<hbm>> -> memref<1x6400xi32, #tpu.memory_space<hbm>>
      %dma_start3A_162 = tpu.memref_squeeze %dma_start3A_161 : memref<1x6400xi32, #tpu.memory_space<hbm>> -> memref<6400xi32, #tpu.memory_space<hbm>>
      tpu.enqueue_dma source(%dma_start3A_162 : memref<6400xi32, #tpu.memory_space<hbm>>) target(%arg5 : memref<6400xi32, #tpu.memory_space<vmem>>) target_semaphore(%run_scoped3A : memref<!tpu.dma_semaphore, #tpu.memory_space<semaphore_mem>>)
      %dma_wait3A_163 = arith.constant 0 : i32
      %dma_wait3A_164 = tpu.memref_slice %arg3[%add3A, %dma_wait3A_163] : memref<32x6400xi32, #tpu.memory_space<hbm>> -> memref<1x6400xi32, #tpu.memory_space<hbm>>
      %dma_wait3A_165 = tpu.memref_squeeze %dma_wait3A_164 : memref<1x6400xi32, #tpu.memory_space<hbm>> -> memref<6400xi32, #tpu.memory_space<hbm>>
      %dma_wait3A_166 = arith.constant 0 : i32
      %dma_wait3A_167 = tpu.memref_slice %arg3[%add3A, %dma_wait3A_166] : memref<32x6400xi32, #tpu.memory_space<hbm>> -> memref<1x6400xi32, #tpu.memory_space<hbm>>
      %dma_wait3A_168 = tpu.memref_squeeze %dma_wait3A_167 : memref<1x6400xi32, #tpu.memory_space<hbm>> -> memref<6400xi32, #tpu.memory_space<hbm>>
      tpu.wait_dma2 semaphore(%run_scoped3A : memref<!tpu.dma_semaphore, #tpu.memory_space<semaphore_mem>>) src(%dma_wait3A_168 : memref<6400xi32, #tpu.memory_space<hbm>>) dst(%arg5 : memref<6400xi32, #tpu.memory_space<vmem>>)
      tpu.yield
    }) : () -> ()
    %dma_start3A = arith.constant 0 : i32
    %dma_start3A_3 = arith.constant 0 : i32
    %dma_start3A_4 = arith.constant 0 : i32
    %dma_start3A_5 = tpu.memref_slice %arg6[%dma_start3A, %dma_start3A_3, %dma_start3A_4] : memref<2x256x128xf32, #tpu.memory_space<vmem>> -> memref<1x256x128xf32, #tpu.memory_space<vmem>>
    %dma_start3A_6 = tpu.memref_squeeze %dma_start3A_5 : memref<1x256x128xf32, #tpu.memory_space<vmem>> -> memref<256x128xf32, #tpu.memory_space<vmem>>
    %dma_start3A_7 = arith.constant 0 : i32
    %dma_start3A_8 = tpu.memref_slice %arg5[%dma_start3A_7] : memref<6400xi32, #tpu.memory_space<vmem>> -> memref<256xi32, #tpu.memory_space<vmem>>
    %dma_start3A_9 = arith.constant 0 : i32
    %dma_start3A_10 = arith.constant 0 : i32
    %dma_start3A_11 = tpu.memref_slice %arg2[%dma_start3A_9, %dma_start3A_10] : memref<100000x128xf32, #tpu.memory_space<hbm>> -> memref<100000x128xf32, #tpu.memory_space<hbm>>
    tpu.enqueue_indirect_dma source(%dma_start3A_11 : memref<100000x128xf32, #tpu.memory_space<hbm>>) target(%dma_start3A_6 : memref<256x128xf32, #tpu.memory_space<vmem>>) offsets(%dma_start3A_8 : memref<256xi32, #tpu.memory_space<vmem>>) semaphore(%arg8 : memref<!tpu.dma_semaphore, #tpu.memory_space<semaphore_mem>>)
    %dma_start3A_12 = arith.constant 1 : i32
    %dma_start3A_13 = arith.constant 0 : i32
    %dma_start3A_14 = arith.constant 0 : i32
    %dma_start3A_15 = tpu.memref_slice %arg6[%dma_start3A_12, %dma_start3A_13, %dma_start3A_14] : memref<2x256x128xf32, #tpu.memory_space<vmem>> -> memref<1x256x128xf32, #tpu.memory_space<vmem>>
    %dma_start3A_16 = tpu.memref_squeeze %dma_start3A_15 : memref<1x256x128xf32, #tpu.memory_space<vmem>> -> memref<256x128xf32, #tpu.memory_space<vmem>>
    %dma_start3A_17 = arith.constant 256 : i32
    %dma_start3A_18 = tpu.memref_slice %arg5[%dma_start3A_17] : memref<6400xi32, #tpu.memory_space<vmem>> -> memref<256xi32, #tpu.memory_space<vmem>>
    %dma_start3A_19 = arith.constant 0 : i32
    %dma_start3A_20 = arith.constant 0 : i32
    %dma_start3A_21 = tpu.memref_slice %arg2[%dma_start3A_19, %dma_start3A_20] : memref<100000x128xf32, #tpu.memory_space<hbm>> -> memref<100000x128xf32, #tpu.memory_space<hbm>>
    tpu.enqueue_indirect_dma source(%dma_start3A_21 : memref<100000x128xf32, #tpu.memory_space<hbm>>) target(%dma_start3A_16 : memref<256x128xf32, #tpu.memory_space<vmem>>) offsets(%dma_start3A_18 : memref<256xi32, #tpu.memory_space<vmem>>) semaphore(%arg9 : memref<!tpu.dma_semaphore, #tpu.memory_space<semaphore_mem>>)
    %scan3A = arith.constant 0 : i32
    %scan3A_22 = arith.constant 0 : i32
    %scan3A_23 = arith.constant 12 : i32
    %scan3A_24 = arith.addi %scan3A_22, %scan3A_23 : i32
    %scan3A_25 = arith.constant 1 : i32
    %scan3A_26 = scf.for %scan3A_157 = %scan3A_22 to %scan3A_24 step %scan3A_25 iter_args(%scan3A_158 = %scan3A) -> (i32)  : i32 {
      %mul3A_159 = arith.constant 2 : i32
      %mul3A_160 = arith.muli %mul3A_159, %scan3A_157 : i32
      %ge3A = arith.constant 1 : i32
      %ge3A_161 = arith.cmpi sge, %scan3A_157, %ge3A : i32
      %mul3A_162 = arith.constant 256 : i32
      %mul3A_163 = arith.muli %mul3A_160, %mul3A_162 : i32
      %dma_wait3A_164 = arith.constant 0 : i32
      %dma_wait3A_165 = arith.constant 0 : i32
      %dma_wait3A_166 = arith.constant 0 : i32
      %dma_wait3A_167 = tpu.memref_slice %arg6[%dma_wait3A_164, %dma_wait3A_165, %dma_wait3A_166] : memref<2x256x128xf32, #tpu.memory_space<vmem>> -> memref<1x256x128xf32, #tpu.memory_space<vmem>>
      %dma_wait3A_168 = tpu.memref_squeeze %dma_wait3A_167 : memref<1x256x128xf32, #tpu.memory_space<vmem>> -> memref<256x128xf32, #tpu.memory_space<vmem>>
      %dma_wait3A_169 = tpu.memref_slice %arg5[%mul3A_163] : memref<6400xi32, #tpu.memory_space<vmem>> -> memref<256xi32, #tpu.memory_space<vmem>>
      %dma_wait3A_170 = arith.constant 0 : i32
      %dma_wait3A_171 = arith.constant 0 : i32
      %dma_wait3A_172 = tpu.memref_slice %arg2[%dma_wait3A_170, %dma_wait3A_171] : memref<100000x128xf32, #tpu.memory_space<hbm>> -> memref<100000x128xf32, #tpu.memory_space<hbm>>
      tpu.wait_indirect_dma semaphore(%arg8 : memref<!tpu.dma_semaphore, #tpu.memory_space<semaphore_mem>>) src(%dma_wait3A_172 : memref<100000x128xf32, #tpu.memory_space<hbm>>) dst(%dma_wait3A_168 : memref<256x128xf32, #tpu.memory_space<vmem>>)
      %convert_element_type3A = arith.extui %ge3A_161 : i1 to i32
      %cond3A = arith.constant 0 : i32
      %cond3A_173 = arith.cmpi ne, %convert_element_type3A, %cond3A : i32
      scf.if %cond3A_173 {
        %sub3A_357 = arith.constant 1 : i32
        %sub3A_358 = arith.subi %mul3A_160, %sub3A_357 : i32
        %mul3A_359 = arith.constant 256 : i32
        %mul3A_360 = arith.muli %sub3A_358, %mul3A_359 : i32
        %add3A_361 = arith.addi %mul3A_2, %mul3A_360 : i32
        %add3A_362 = arith.constant 0 : i32
        %add3A_363 = arith.addi %add3A_361, %add3A_362 : i32
        %dma_wait3A_364 = arith.constant 0 : i32
        %dma_wait3A_365 = arith.constant 0 : i32
        %dma_wait3A_366 = arith.constant 0 : i32
        %dma_wait3A_367 = tpu.memref_slice %arg7[%dma_wait3A_364, %dma_wait3A_365, %dma_wait3A_366] : memref<2x128x128xf32, #tpu.memory_space<vmem>> -> memref<1x128x128xf32, #tpu.memory_space<vmem>>
        %dma_wait3A_368 = tpu.memref_squeeze %dma_wait3A_367 : memref<1x128x128xf32, #tpu.memory_space<vmem>> -> memref<128x128xf32, #tpu.memory_space<vmem>>
        %dma_wait3A_369 = arith.constant 0 : i32
        %dma_wait3A_370 = tpu.memref_slice %arg4[%add3A_363, %dma_wait3A_369] : memref<204800x128xf32, #tpu.memory_space<hbm>> -> memref<128x128xf32, #tpu.memory_space<hbm>>
        %dma_wait3A_371 = arith.constant 0 : i32
        %dma_wait3A_372 = tpu.memref_slice %arg4[%add3A_363, %dma_wait3A_371] : memref<204800x128xf32, #tpu.memory_space<hbm>> -> memref<128x128xf32, #tpu.memory_space<hbm>>
        %dma_wait3A_373 = arith.constant 0 : i32
        %dma_wait3A_374 = arith.constant 0 : i32
        %dma_wait3A_375 = tpu.memref_slice %arg7[%dma_wait3A_364, %dma_wait3A_373, %dma_wait3A_374] : memref<2x128x128xf32, #tpu.memory_space<vmem>> -> memref<1x128x128xf32, #tpu.memory_space<vmem>>
        %dma_wait3A_376 = tpu.memref_squeeze %dma_wait3A_375 : memref<1x128x128xf32, #tpu.memory_space<vmem>> -> memref<128x128xf32, #tpu.memory_space<vmem>>
        tpu.wait_dma2 semaphore(%arg10 : memref<!tpu.dma_semaphore, #tpu.memory_space<semaphore_mem>>) src(%dma_wait3A_376 : memref<128x128xf32, #tpu.memory_space<vmem>>) dst(%dma_wait3A_372 : memref<128x128xf32, #tpu.memory_space<hbm>>)
      } else {
      }
      %scan3A_174 = arith.constant 0 : i32
      %scan3A_175 = arith.constant 0 : i32
      %scan3A_176 = arith.constant 0 : i32
      %scan3A_177 = arith.constant 0 : i32
      %scan3A_178 = arith.constant 128 : i32
      %scan3A_179 = arith.addi %scan3A_177, %scan3A_178 : i32
      %scan3A_180 = arith.constant 1 : i32
      %scan3A_181 = scf.for %scan3A_357 = %scan3A_177 to %scan3A_179 step %scan3A_180 iter_args(%scan3A_358 = %scan3A_176) -> (i32)  : i32 {
        %get3A = arith.constant 0 : i32
        %get3A_359 = arith.constant 0 : i32
        %get3A_360 = tpu.memref_slice %arg6[%scan3A_174, %get3A, %get3A_359] : memref<2x256x128xf32, #tpu.memory_space<vmem>> -> memref<1x256x128xf32, #tpu.memory_space<vmem>>
        %get3A_361 = tpu.memref_squeeze %get3A_360 : memref<1x256x128xf32, #tpu.memory_space<vmem>> -> memref<256x128xf32, #tpu.memory_space<vmem>>
        %get3A_362 = arith.constant 0 : i32
        %get3A_363 = arith.constant 0 : i32
        %get3A_364 = tpu.memref_slice %get3A_361[%get3A_362, %get3A_363] : memref<256x128xf32, #tpu.memory_space<vmem>> -> memref<128x128xf32, #tpu.memory_space<vmem>>
        %get3A_365 = arith.index_cast %scan3A_357 : i32 to index
        %get3A_366 = arith.constant 0 : index
        %get3A_367 = tpu.vector_load %get3A_364[%get3A_365, %get3A_366] {strides = array<i32>} : memref<128x128xf32, #tpu.memory_space<vmem>>, vector<1x16xf32>,
        %get3A_368 = vector.shape_cast %get3A_367 : vector<1x16xf32> to vector<16xf32>
        %mul3A_369 = arith.constant 11.3137083 : f32
        %mul3A_370 = vector.broadcast %mul3A_369 : f32 to vector<16xf32>
        %mul3A_371 = arith.mulf %get3A_368, %mul3A_370 : vector<16xf32>
        %swap3A = arith.constant 0 : i32
        %swap3A_372 = arith.constant 0 : i32
        %swap3A_373 = tpu.memref_slice %arg7[%scan3A_175, %swap3A, %swap3A_372] : memref<2x128x128xf32, #tpu.memory_space<vmem>> -> memref<1x128x128xf32, #tpu.memory_space<vmem>>
        %swap3A_374 = tpu.memref_squeeze %swap3A_373 : memref<1x128x128xf32, #tpu.memory_space<vmem>> -> memref<128x128xf32, #tpu.memory_space<vmem>>
        %swap3A_375 = arith.index_cast %scan3A_357 : i32 to index
        %swap3A_376 = arith.constant 0 : index
        %swap3A_377 = tpu.vector_load %swap3A_374[%swap3A_375, %swap3A_376] {strides = array<i32>} : memref<128x128xf32, #tpu.memory_space<vmem>>, vector<1x16xf32>,
        %swap3A_378 = vector.shape_cast %swap3A_377 : vector<1x16xf32> to vector<16xf32>
        %swap3A_379 = vector.shape_cast %mul3A_371 : vector<16xf32> to vector<1x16xf32>
        tpu.vector_store %swap3A_374[%swap3A_375, %swap3A_376], %swap3A_379 {strides = array<i32>} : memref<128x128xf32, #tpu.memory_space<vmem>>, vector<1x16xf32>,
        %get3A_380 = arith.constant 0 : i32
        %get3A_381 = arith.constant 0 : i32
        %get3A_382 = tpu.memref_slice %arg6[%scan3A_174, %get3A_380, %get3A_381] : memref<2x256x128xf32, #tpu.memory_space<vmem>> -> memref<1x256x128xf32, #tpu.memory_space<vmem>>
        %get3A_383 = tpu.memref_squeeze %get3A_382 : memref<1x256x128xf32, #tpu.memory_space<vmem>> -> memref<256x128xf32, #tpu.memory_space<vmem>>
        %get3A_384 = arith.constant 0 : i32
        %get3A_385 = arith.constant 0 : i32
        %get3A_386 = tpu.memref_slice %get3A_383[%get3A_384, %get3A_385] : memref<256x128xf32, #tpu.memory_space<vmem>> -> memref<128x128xf32, #tpu.memory_space<vmem>>
        %get3A_387 = arith.index_cast %scan3A_357 : i32 to index
        %get3A_388 = arith.constant 16 : index
        %get3A_389 = tpu.vector_load %get3A_386[%get3A_387, %get3A_388] {strides = array<i32>} : memref<128x128xf32, #tpu.memory_space<vmem>>, vector<1x16xf32>,
        %get3A_390 = vector.shape_cast %get3A_389 : vector<1x16xf32> to vector<16xf32>
        %mul3A_391 = arith.constant 11.3137083 : f32
        %mul3A_392 = vector.broadcast %mul3A_391 : f32 to vector<16xf32>
        %mul3A_393 = arith.mulf %get3A_390, %mul3A_392 : vector<16xf32>
        %swap3A_394 = arith.constant 0 : i32
        %swap3A_395 = arith.constant 0 : i32
        %swap3A_396 = tpu.memref_slice %arg7[%scan3A_175, %swap3A_394, %swap3A_395] : memref<2x128x128xf32, #tpu.memory_space<vmem>> -> memref<1x128x128xf32, #tpu.memory_space<vmem>>
        %swap3A_397 = tpu.memref_squeeze %swap3A_396 : memref<1x128x128xf32, #tpu.memory_space<vmem>> -> memref<128x128xf32, #tpu.memory_space<vmem>>
        %swap3A_398 = arith.index_cast %scan3A_357 : i32 to index
        %swap3A_399 = arith.constant 16 : index
        %swap3A_400 = tpu.vector_load %swap3A_397[%swap3A_398, %swap3A_399] {strides = array<i32>} : memref<128x128xf32, #tpu.memory_space<vmem>>, vector<1x16xf32>,
        %swap3A_401 = vector.shape_cast %swap3A_400 : vector<1x16xf32> to vector<16xf32>
        %swap3A_402 = vector.shape_cast %mul3A_393 : vector<16xf32> to vector<1x16xf32>
        tpu.vector_store %swap3A_397[%swap3A_398, %swap3A_399], %swap3A_402 {strides = array<i32>} : memref<128x128xf32, #tpu.memory_space<vmem>>, vector<1x16xf32>,
        %get3A_403 = arith.constant 0 : i32
        %get3A_404 = arith.constant 0 : i32
        %get3A_405 = tpu.memref_slice %arg6[%scan3A_174, %get3A_403, %get3A_404] : memref<2x256x128xf32, #tpu.memory_space<vmem>> -> memref<1x256x128xf32, #tpu.memory_space<vmem>>
        %get3A_406 = tpu.memref_squeeze %get3A_405 : memref<1x256x128xf32, #tpu.memory_space<vmem>> -> memref<256x128xf32, #tpu.memory_space<vmem>>
        %get3A_407 = arith.constant 0 : i32
        %get3A_408 = arith.constant 0 : i32
        %get3A_409 = tpu.memref_slice %get3A_406[%get3A_407, %get3A_408] : memref<256x128xf32, #tpu.memory_space<vmem>> -> memref<128x128xf32, #tpu.memory_space<vmem>>
        %get3A_410 = arith.index_cast %scan3A_357 : i32 to index
        %get3A_411 = arith.constant 32 : index
        %get3A_412 = tpu.vector_load %get3A_409[%get3A_410, %get3A_411] {strides = array<i32>} : memref<128x128xf32, #tpu.memory_space<vmem>>, vector<1x16xf32>,
        %get3A_413 = vector.shape_cast %get3A_412 : vector<1x16xf32> to vector<16xf32>
        %mul3A_414 = arith.constant 11.3137083 : f32
        %mul3A_415 = vector.broadcast %mul3A_414 : f32 to vector<16xf32>
        %mul3A_416 = arith.mulf %get3A_413, %mul3A_415 : vector<16xf32>
        %swap3A_417 = arith.constant 0 : i32
        %swap3A_418 = arith.constant 0 : i32
        %swap3A_419 = tpu.memref_slice %arg7[%scan3A_175, %swap3A_417, %swap3A_418] : memref<2x128x128xf32, #tpu.memory_space<vmem>> -> memref<1x128x128xf32, #tpu.memory_space<vmem>>
        %swap3A_420 = tpu.memref_squeeze %swap3A_419 : memref<1x128x128xf32, #tpu.memory_space<vmem>> -> memref<128x128xf32, #tpu.memory_space<vmem>>
        %swap3A_421 = arith.index_cast %scan3A_357 : i32 to index
        %swap3A_422 = arith.constant 32 : index
        %swap3A_423 = tpu.vector_load %swap3A_420[%swap3A_421, %swap3A_422] {strides = array<i32>} : memref<128x128xf32, #tpu.memory_space<vmem>>, vector<1x16xf32>,
        %swap3A_424 = vector.shape_cast %swap3A_423 : vector<1x16xf32> to vector<16xf32>
        %swap3A_425 = vector.shape_cast %mul3A_416 : vector<16xf32> to vector<1x16xf32>
        tpu.vector_store %swap3A_420[%swap3A_421, %swap3A_422], %swap3A_425 {strides = array<i32>} : memref<128x128xf32, #tpu.memory_space<vmem>>, vector<1x16xf32>,
        %get3A_426 = arith.constant 0 : i32
        %get3A_427 = arith.constant 0 : i32
        %get3A_428 = tpu.memref_slice %arg6[%scan3A_174, %get3A_426, %get3A_427] : memref<2x256x128xf32, #tpu.memory_space<vmem>> -> memref<1x256x128xf32, #tpu.memory_space<vmem>>
        %get3A_429 = tpu.memref_squeeze %get3A_428 : memref<1x256x128xf32, #tpu.memory_space<vmem>> -> memref<256x128xf32, #tpu.memory_space<vmem>>
        %get3A_430 = arith.constant 0 : i32
        %get3A_431 = arith.constant 0 : i32
        %get3A_432 = tpu.memref_slice %get3A_429[%get3A_430, %get3A_431] : memref<256x128xf32, #tpu.memory_space<vmem>> -> memref<128x128xf32, #tpu.memory_space<vmem>>
        %get3A_433 = arith.index_cast %scan3A_357 : i32 to index
        %get3A_434 = arith.constant 48 : index
        %get3A_435 = tpu.vector_load %get3A_432[%get3A_433, %get3A_434] {strides = array<i32>} : memref<128x128xf32, #tpu.memory_space<vmem>>, vector<1x16xf32>,
        %get3A_436 = vector.shape_cast %get3A_435 : vector<1x16xf32> to vector<16xf32>
        %mul3A_437 = arith.constant 11.3137083 : f32
        %mul3A_438 = vector.broadcast %mul3A_437 : f32 to vector<16xf32>
        %mul3A_439 = arith.mulf %get3A_436, %mul3A_438 : vector<16xf32>
        %swap3A_440 = arith.constant 0 : i32
        %swap3A_441 = arith.constant 0 : i32
        %swap3A_442 = tpu.memref_slice %arg7[%scan3A_175, %swap3A_440, %swap3A_441] : memref<2x128x128xf32, #tpu.memory_space<vmem>> -> memref<1x128x128xf32, #tpu.memory_space<vmem>>
        %swap3A_443 = tpu.memref_squeeze %swap3A_442 : memref<1x128x128xf32, #tpu.memory_space<vmem>> -> memref<128x128xf32, #tpu.memory_space<vmem>>
        %swap3A_444 = arith.index_cast %scan3A_357 : i32 to index
        %swap3A_445 = arith.constant 48 : index
        %swap3A_446 = tpu.vector_load %swap3A_443[%swap3A_444, %swap3A_445] {strides = array<i32>} : memref<128x128xf32, #tpu.memory_space<vmem>>, vector<1x16xf32>,
        %swap3A_447 = vector.shape_cast %swap3A_446 : vector<1x16xf32> to vector<16xf32>
        %swap3A_448 = vector.shape_cast %mul3A_439 : vector<16xf32> to vector<1x16xf32>
        tpu.vector_store %swap3A_443[%swap3A_444, %swap3A_445], %swap3A_448 {strides = array<i32>} : memref<128x128xf32, #tpu.memory_space<vmem>>, vector<1x16xf32>,
        %get3A_449 = arith.constant 0 : i32
        %get3A_450 = arith.constant 0 : i32
        %get3A_451 = tpu.memref_slice %arg6[%scan3A_174, %get3A_449, %get3A_450] : memref<2x256x128xf32, #tpu.memory_space<vmem>> -> memref<1x256x128xf32, #tpu.memory_space<vmem>>
        %get3A_452 = tpu.memref_squeeze %get3A_451 : memref<1x256x128xf32, #tpu.memory_space<vmem>> -> memref<256x128xf32, #tpu.memory_space<vmem>>
        %get3A_453 = arith.constant 0 : i32
        %get3A_454 = arith.constant 0 : i32
        %get3A_455 = tpu.memref_slice %get3A_452[%get3A_453, %get3A_454] : memref<256x128xf32, #tpu.memory_space<vmem>> -> memref<128x128xf32, #tpu.memory_space<vmem>>
        %get3A_456 = arith.index_cast %scan3A_357 : i32 to index
        %get3A_457 = arith.constant 64 : index
        %get3A_458 = tpu.vector_load %get3A_455[%get3A_456, %get3A_457] {strides = array<i32>} : memref<128x128xf32, #tpu.memory_space<vmem>>, vector<1x16xf32>,
        %get3A_459 = vector.shape_cast %get3A_458 : vector<1x16xf32> to vector<16xf32>
        %mul3A_460 = arith.constant 11.3137083 : f32
        %mul3A_461 = vector.broadcast %mul3A_460 : f32 to vector<16xf32>
        %mul3A_462 = arith.mulf %get3A_459, %mul3A_461 : vector<16xf32>
        %swap3A_463 = arith.constant 0 : i32
        %swap3A_464 = arith.constant 0 : i32
        %swap3A_465 = tpu.memref_slice %arg7[%scan3A_175, %swap3A_463, %swap3A_464] : memref<2x128x128xf32, #tpu.memory_space<vmem>> -> memref<1x128x128xf32, #tpu.memory_space<vmem>>
        %swap3A_466 = tpu.memref_squeeze %swap3A_465 : memref<1x128x128xf32, #tpu.memory_space<vmem>> -> memref<128x128xf32, #tpu.memory_space<vmem>>
        %swap3A_467 = arith.index_cast %scan3A_357 : i32 to index
        %swap3A_468 = arith.constant 64 : index
        %swap3A_469 = tpu.vector_load %swap3A_466[%swap3A_467, %swap3A_468] {strides = array<i32>} : memref<128x128xf32, #tpu.memory_space<vmem>>, vector<1x16xf32>,
        %swap3A_470 = vector.shape_cast %swap3A_469 : vector<1x16xf32> to vector<16xf32>
        %swap3A_471 = vector.shape_cast %mul3A_462 : vector<16xf32> to vector<1x16xf32>
        tpu.vector_store %swap3A_466[%swap3A_467, %swap3A_468], %swap3A_471 {strides = array<i32>} : memref<128x128xf32, #tpu.memory_space<vmem>>, vector<1x16xf32>,
        %get3A_472 = arith.constant 0 : i32
        %get3A_473 = arith.constant 0 : i32
        %get3A_474 = tpu.memref_slice %arg6[%scan3A_174, %get3A_472, %get3A_473] : memref<2x256x128xf32, #tpu.memory_space<vmem>> -> memref<1x256x128xf32, #tpu.memory_space<vmem>>
        %get3A_475 = tpu.memref_squeeze %get3A_474 : memref<1x256x128xf32, #tpu.memory_space<vmem>> -> memref<256x128xf32, #tpu.memory_space<vmem>>
        %get3A_476 = arith.constant 0 : i32
        %get3A_477 = arith.constant 0 : i32
        %get3A_478 = tpu.memref_slice %get3A_475[%get3A_476, %get3A_477] : memref<256x128xf32, #tpu.memory_space<vmem>> -> memref<128x128xf32, #tpu.memory_space<vmem>>
        %get3A_479 = arith.index_cast %scan3A_357 : i32 to index
        %get3A_480 = arith.constant 80 : index
        %get3A_481 = tpu.vector_load %get3A_478[%get3A_479, %get3A_480] {strides = array<i32>} : memref<128x128xf32, #tpu.memory_space<vmem>>, vector<1x16xf32>,
        %get3A_482 = vector.shape_cast %get3A_481 : vector<1x16xf32> to vector<16xf32>
        %mul3A_483 = arith.constant 11.3137083 : f32
        %mul3A_484 = vector.broadcast %mul3A_483 : f32 to vector<16xf32>
        %mul3A_485 = arith.mulf %get3A_482, %mul3A_484 : vector<16xf32>
        %swap3A_486 = arith.constant 0 : i32
        %swap3A_487 = arith.constant 0 : i32
        %swap3A_488 = tpu.memref_slice %arg7[%scan3A_175, %swap3A_486, %swap3A_487] : memref<2x128x128xf32, #tpu.memory_space<vmem>> -> memref<1x128x128xf32, #tpu.memory_space<vmem>>
        %swap3A_489 = tpu.memref_squeeze %swap3A_488 : memref<1x128x128xf32, #tpu.memory_space<vmem>> -> memref<128x128xf32, #tpu.memory_space<vmem>>
        %swap3A_490 = arith.index_cast %scan3A_357 : i32 to index
        %swap3A_491 = arith.constant 80 : index
        %swap3A_492 = tpu.vector_load %swap3A_489[%swap3A_490, %swap3A_491] {strides = array<i32>} : memref<128x128xf32, #tpu.memory_space<vmem>>, vector<1x16xf32>,
        %swap3A_493 = vector.shape_cast %swap3A_492 : vector<1x16xf32> to vector<16xf32>
        %swap3A_494 = vector.shape_cast %mul3A_485 : vector<16xf32> to vector<1x16xf32>
        tpu.vector_store %swap3A_489[%swap3A_490, %swap3A_491], %swap3A_494 {strides = array<i32>} : memref<128x128xf32, #tpu.memory_space<vmem>>, vector<1x16xf32>,
        %get3A_495 = arith.constant 0 : i32
        %get3A_496 = arith.constant 0 : i32
        %get3A_497 = tpu.memref_slice %arg6[%scan3A_174, %get3A_495, %get3A_496] : memref<2x256x128xf32, #tpu.memory_space<vmem>> -> memref<1x256x128xf32, #tpu.memory_space<vmem>>
        %get3A_498 = tpu.memref_squeeze %get3A_497 : memref<1x256x128xf32, #tpu.memory_space<vmem>> -> memref<256x128xf32, #tpu.memory_space<vmem>>
        %get3A_499 = arith.constant 0 : i32
        %get3A_500 = arith.constant 0 : i32
        %get3A_501 = tpu.memref_slice %get3A_498[%get3A_499, %get3A_500] : memref<256x128xf32, #tpu.memory_space<vmem>> -> memref<128x128xf32, #tpu.memory_space<vmem>>
        %get3A_502 = arith.index_cast %scan3A_357 : i32 to index
        %get3A_503 = arith.constant 96 : index
        %get3A_504 = tpu.vector_load %get3A_501[%get3A_502, %get3A_503] {strides = array<i32>} : memref<128x128xf32, #tpu.memory_space<vmem>>, vector<1x16xf32>,
        %get3A_505 = vector.shape_cast %get3A_504 : vector<1x16xf32> to vector<16xf32>
        %mul3A_506 = arith.constant 11.3137083 : f32
        %mul3A_507 = vector.broadcast %mul3A_506 : f32 to vector<16xf32>
        %mul3A_508 = arith.mulf %get3A_505, %mul3A_507 : vector<16xf32>
        %swap3A_509 = arith.constant 0 : i32
        %swap3A_510 = arith.constant 0 : i32
        %swap3A_511 = tpu.memref_slice %arg7[%scan3A_175, %swap3A_509, %swap3A_510] : memref<2x128x128xf32, #tpu.memory_space<vmem>> -> memref<1x128x128xf32, #tpu.memory_space<vmem>>
        %swap3A_512 = tpu.memref_squeeze %swap3A_511 : memref<1x128x128xf32, #tpu.memory_space<vmem>> -> memref<128x128xf32, #tpu.memory_space<vmem>>
        %swap3A_513 = arith.index_cast %scan3A_357 : i32 to index
        %swap3A_514 = arith.constant 96 : index
        %swap3A_515 = tpu.vector_load %swap3A_512[%swap3A_513, %swap3A_514] {strides = array<i32>} : memref<128x128xf32, #tpu.memory_space<vmem>>, vector<1x16xf32>,
        %swap3A_516 = vector.shape_cast %swap3A_515 : vector<1x16xf32> to vector<16xf32>
        %swap3A_517 = vector.shape_cast %mul3A_508 : vector<16xf32> to vector<1x16xf32>
        tpu.vector_store %swap3A_512[%swap3A_513, %swap3A_514], %swap3A_517 {strides = array<i32>} : memref<128x128xf32, #tpu.memory_space<vmem>>, vector<1x16xf32>,
        %get3A_518 = arith.constant 0 : i32
        %get3A_519 = arith.constant 0 : i32
        %get3A_520 = tpu.memref_slice %arg6[%scan3A_174, %get3A_518, %get3A_519] : memref<2x256x128xf32, #tpu.memory_space<vmem>> -> memref<1x256x128xf32, #tpu.memory_space<vmem>>
        %get3A_521 = tpu.memref_squeeze %get3A_520 : memref<1x256x128xf32, #tpu.memory_space<vmem>> -> memref<256x128xf32, #tpu.memory_space<vmem>>
        %get3A_522 = arith.constant 0 : i32
        %get3A_523 = arith.constant 0 : i32
        %get3A_524 = tpu.memref_slice %get3A_521[%get3A_522, %get3A_523] : memref<256x128xf32, #tpu.memory_space<vmem>> -> memref<128x128xf32, #tpu.memory_space<vmem>>
        %get3A_525 = arith.index_cast %scan3A_357 : i32 to index
        %get3A_526 = arith.constant 112 : index
        %get3A_527 = tpu.vector_load %get3A_524[%get3A_525, %get3A_526] {strides = array<i32>} : memref<128x128xf32, #tpu.memory_space<vmem>>, vector<1x16xf32>,
        %get3A_528 = vector.shape_cast %get3A_527 : vector<1x16xf32> to vector<16xf32>
        %mul3A_529 = arith.constant 11.3137083 : f32
        %mul3A_530 = vector.broadcast %mul3A_529 : f32 to vector<16xf32>
        %mul3A_531 = arith.mulf %get3A_528, %mul3A_530 : vector<16xf32>
        %swap3A_532 = arith.constant 0 : i32
        %swap3A_533 = arith.constant 0 : i32
        %swap3A_534 = tpu.memref_slice %arg7[%scan3A_175, %swap3A_532, %swap3A_533] : memref<2x128x128xf32, #tpu.memory_space<vmem>> -> memref<1x128x128xf32, #tpu.memory_space<vmem>>
        %swap3A_535 = tpu.memref_squeeze %swap3A_534 : memref<1x128x128xf32, #tpu.memory_space<vmem>> -> memref<128x128xf32, #tpu.memory_space<vmem>>
        %swap3A_536 = arith.index_cast %scan3A_357 : i32 to index
        %swap3A_537 = arith.constant 112 : index
        %swap3A_538 = tpu.vector_load %swap3A_535[%swap3A_536, %swap3A_537] {strides = array<i32>} : memref<128x128xf32, #tpu.memory_space<vmem>>, vector<1x16xf32>,
        %swap3A_539 = vector.shape_cast %swap3A_538 : vector<1x16xf32> to vector<16xf32>
        %swap3A_540 = vector.shape_cast %mul3A_531 : vector<16xf32> to vector<1x16xf32>
        tpu.vector_store %swap3A_535[%swap3A_536, %swap3A_537], %swap3A_540 {strides = array<i32>} : memref<128x128xf32, #tpu.memory_space<vmem>>, vector<1x16xf32>,
        %scan3A_541 = arith.constant 0 : i32
        scf.yield %scan3A_541 : i32
      }
      %scan3A_182 = arith.constant 128 : i32
      %mul3A_183 = arith.constant 256 : i32
      %mul3A_184 = arith.muli %mul3A_160, %mul3A_183 : i32
      %add3A_185 = arith.addi %mul3A_2, %mul3A_184 : i32
      %add3A_186 = arith.constant 0 : i32
      %add3A_187 = arith.addi %add3A_185, %add3A_186 : i32
      %dma_start3A_188 = arith.constant 0 : i32
      %dma_start3A_189 = arith.constant 0 : i32
      %dma_start3A_190 = arith.constant 0 : i32
      %dma_start3A_191 = tpu.memref_slice %arg7[%dma_start3A_188, %dma_start3A_189, %dma_start3A_190] : memref<2x128x128xf32, #tpu.memory_space<vmem>> -> memref<1x128x128xf32, #tpu.memory_space<vmem>>
      %dma_start3A_192 = tpu.memref_squeeze %dma_start3A_191 : memref<1x128x128xf32, #tpu.memory_space<vmem>> -> memref<128x128xf32, #tpu.memory_space<vmem>>
      %dma_start3A_193 = arith.constant 0 : i32
      %dma_start3A_194 = tpu.memref_slice %arg4[%add3A_187, %dma_start3A_193] : memref<204800x128xf32, #tpu.memory_space<hbm>> -> memref<128x128xf32, #tpu.memory_space<hbm>>
      %dma_start3A_195 = arith.constant 0 : i32
      %dma_start3A_196 = tpu.memref_slice %arg4[%add3A_187, %dma_start3A_195] : memref<204800x128xf32, #tpu.memory_space<hbm>> -> memref<128x128xf32, #tpu.memory_space<hbm>>
      %dma_start3A_197 = arith.constant 0 : i32
      %dma_start3A_198 = arith.constant 0 : i32
      %dma_start3A_199 = tpu.memref_slice %arg7[%dma_start3A_188, %dma_start3A_197, %dma_start3A_198] : memref<2x128x128xf32, #tpu.memory_space<vmem>> -> memref<1x128x128xf32, #tpu.memory_space<vmem>>
      %dma_start3A_200 = tpu.memref_squeeze %dma_start3A_199 : memref<1x128x128xf32, #tpu.memory_space<vmem>> -> memref<128x128xf32, #tpu.memory_space<vmem>>
      tpu.enqueue_dma source(%dma_start3A_200 : memref<128x128xf32, #tpu.memory_space<vmem>>) target(%dma_start3A_196 : memref<128x128xf32, #tpu.memory_space<hbm>>) target_semaphore(%arg10 : memref<!tpu.dma_semaphore, #tpu.memory_space<semaphore_mem>>)
      %convert_element_type3A_201 = arith.extui %ge3A_161 : i1 to i32
      %cond3A_202 = arith.constant 0 : i32
      %cond3A_203 = arith.cmpi ne, %convert_element_type3A_201, %cond3A_202 : i32
      scf.if %cond3A_203 {
        %sub3A_357 = arith.constant 1 : i32
        %sub3A_358 = arith.subi %mul3A_160, %sub3A_357 : i32
        %mul3A_359 = arith.constant 256 : i32
        %mul3A_360 = arith.muli %sub3A_358, %mul3A_359 : i32
        %add3A_361 = arith.addi %mul3A_2, %mul3A_360 : i32
        %add3A_362 = arith.constant 128 : i32
        %add3A_363 = arith.addi %add3A_361, %add3A_362 : i32
        %dma_wait3A_364 = arith.constant 1 : i32
        %dma_wait3A_365 = arith.constant 0 : i32
        %dma_wait3A_366 = arith.constant 0 : i32
        %dma_wait3A_367 = tpu.memref_slice %arg7[%dma_wait3A_364, %dma_wait3A_365, %dma_wait3A_366] : memref<2x128x128xf32, #tpu.memory_space<vmem>> -> memref<1x128x128xf32, #tpu.memory_space<vmem>>
        %dma_wait3A_368 = tpu.memref_squeeze %dma_wait3A_367 : memref<1x128x128xf32, #tpu.memory_space<vmem>> -> memref<128x128xf32, #tpu.memory_space<vmem>>
        %dma_wait3A_369 = arith.constant 0 : i32
        %dma_wait3A_370 = tpu.memref_slice %arg4[%add3A_363, %dma_wait3A_369] : memref<204800x128xf32, #tpu.memory_space<hbm>> -> memref<128x128xf32, #tpu.memory_space<hbm>>
        %dma_wait3A_371 = arith.constant 0 : i32
        %dma_wait3A_372 = tpu.memref_slice %arg4[%add3A_363, %dma_wait3A_371] : memref<204800x128xf32, #tpu.memory_space<hbm>> -> memref<128x128xf32, #tpu.memory_space<hbm>>
        %dma_wait3A_373 = arith.constant 0 : i32
        %dma_wait3A_374 = arith.constant 0 : i32
        %dma_wait3A_375 = tpu.memref_slice %arg7[%dma_wait3A_364, %dma_wait3A_373, %dma_wait3A_374] : memref<2x128x128xf32, #tpu.memory_space<vmem>> -> memref<1x128x128xf32, #tpu.memory_space<vmem>>
        %dma_wait3A_376 = tpu.memref_squeeze %dma_wait3A_375 : memref<1x128x128xf32, #tpu.memory_space<vmem>> -> memref<128x128xf32, #tpu.memory_space<vmem>>
        tpu.wait_dma2 semaphore(%arg11 : memref<!tpu.dma_semaphore, #tpu.memory_space<semaphore_mem>>) src(%dma_wait3A_376 : memref<128x128xf32, #tpu.memory_space<vmem>>) dst(%dma_wait3A_372 : memref<128x128xf32, #tpu.memory_space<hbm>>)
      } else {
      }
      %scan3A_204 = arith.constant 0 : i32
      %scan3A_205 = arith.constant 1 : i32
      %scan3A_206 = arith.constant 0 : i32
      %scan3A_207 = arith.constant 0 : i32
      %scan3A_208 = arith.constant 128 : i32
      %scan3A_209 = arith.addi %scan3A_207, %scan3A_208 : i32
      %scan3A_210 = arith.constant 1 : i32
      %scan3A_211 = scf.for %scan3A_357 = %scan3A_207 to %scan3A_209 step %scan3A_210 iter_args(%scan3A_358 = %scan3A_206) -> (i32)  : i32 {
        %get3A = arith.constant 0 : i32
        %get3A_359 = arith.constant 0 : i32
        %get3A_360 = tpu.memref_slice %arg6[%scan3A_204, %get3A, %get3A_359] : memref<2x256x128xf32, #tpu.memory_space<vmem>> -> memref<1x256x128xf32, #tpu.memory_space<vmem>>
        %get3A_361 = tpu.memref_squeeze %get3A_360 : memref<1x256x128xf32, #tpu.memory_space<vmem>> -> memref<256x128xf32, #tpu.memory_space<vmem>>
        %get3A_362 = arith.constant 128 : i32
        %get3A_363 = arith.constant 0 : i32
        %get3A_364 = tpu.memref_slice %get3A_361[%get3A_362, %get3A_363] : memref<256x128xf32, #tpu.memory_space<vmem>> -> memref<128x128xf32, #tpu.memory_space<vmem>>
        %get3A_365 = arith.index_cast %scan3A_357 : i32 to index
        %get3A_366 = arith.constant 0 : index
        %get3A_367 = tpu.vector_load %get3A_364[%get3A_365, %get3A_366] {strides = array<i32>} : memref<128x128xf32, #tpu.memory_space<vmem>>, vector<1x16xf32>,
        %get3A_368 = vector.shape_cast %get3A_367 : vector<1x16xf32> to vector<16xf32>
        %mul3A_369 = arith.constant 11.3137083 : f32
        %mul3A_370 = vector.broadcast %mul3A_369 : f32 to vector<16xf32>
        %mul3A_371 = arith.mulf %get3A_368, %mul3A_370 : vector<16xf32>
        %swap3A = arith.constant 0 : i32
        %swap3A_372 = arith.constant 0 : i32
        %swap3A_373 = tpu.memref_slice %arg7[%scan3A_205, %swap3A, %swap3A_372] : memref<2x128x128xf32, #tpu.memory_space<vmem>> -> memref<1x128x128xf32, #tpu.memory_space<vmem>>
        %swap3A_374 = tpu.memref_squeeze %swap3A_373 : memref<1x128x128xf32, #tpu.memory_space<vmem>> -> memref<128x128xf32, #tpu.memory_space<vmem>>
        %swap3A_375 = arith.index_cast %scan3A_357 : i32 to index
        %swap3A_376 = arith.constant 0 : index
        %swap3A_377 = tpu.vector_load %swap3A_374[%swap3A_375, %swap3A_376] {strides = array<i32>} : memref<128x128xf32, #tpu.memory_space<vmem>>, vector<1x16xf32>,
        %swap3A_378 = vector.shape_cast %swap3A_377 : vector<1x16xf32> to vector<16xf32>
        %swap3A_379 = vector.shape_cast %mul3A_371 : vector<16xf32> to vector<1x16xf32>
        tpu.vector_store %swap3A_374[%swap3A_375, %swap3A_376], %swap3A_379 {strides = array<i32>} : memref<128x128xf32, #tpu.memory_space<vmem>>, vector<1x16xf32>,
        %get3A_380 = arith.constant 0 : i32
        %get3A_381 = arith.constant 0 : i32
        %get3A_382 = tpu.memref_slice %arg6[%scan3A_204, %get3A_380, %get3A_381] : memref<2x256x128xf32, #tpu.memory_space<vmem>> -> memref<1x256x128xf32, #tpu.memory_space<vmem>>
        %get3A_383 = tpu.memref_squeeze %get3A_382 : memref<1x256x128xf32, #tpu.memory_space<vmem>> -> memref<256x128xf32, #tpu.memory_space<vmem>>
        %get3A_384 = arith.constant 128 : i32
        %get3A_385 = arith.constant 0 : i32
        %get3A_386 = tpu.memref_slice %get3A_383[%get3A_384, %get3A_385] : memref<256x128xf32, #tpu.memory_space<vmem>> -> memref<128x128xf32, #tpu.memory_space<vmem>>
        %get3A_387 = arith.index_cast %scan3A_357 : i32 to index
        %get3A_388 = arith.constant 16 : index
        %get3A_389 = tpu.vector_load %get3A_386[%get3A_387, %get3A_388] {strides = array<i32>} : memref<128x128xf32, #tpu.memory_space<vmem>>, vector<1x16xf32>,
        %get3A_390 = vector.shape_cast %get3A_389 : vector<1x16xf32> to vector<16xf32>
        %mul3A_391 = arith.constant 11.3137083 : f32
        %mul3A_392 = vector.broadcast %mul3A_391 : f32 to vector<16xf32>
        %mul3A_393 = arith.mulf %get3A_390, %mul3A_392 : vector<16xf32>
        %swap3A_394 = arith.constant 0 : i32
        %swap3A_395 = arith.constant 0 : i32
        %swap3A_396 = tpu.memref_slice %arg7[%scan3A_205, %swap3A_394, %swap3A_395] : memref<2x128x128xf32, #tpu.memory_space<vmem>> -> memref<1x128x128xf32, #tpu.memory_space<vmem>>
        %swap3A_397 = tpu.memref_squeeze %swap3A_396 : memref<1x128x128xf32, #tpu.memory_space<vmem>> -> memref<128x128xf32, #tpu.memory_space<vmem>>
        %swap3A_398 = arith.index_cast %scan3A_357 : i32 to index
        %swap3A_399 = arith.constant 16 : index
        %swap3A_400 = tpu.vector_load %swap3A_397[%swap3A_398, %swap3A_399] {strides = array<i32>} : memref<128x128xf32, #tpu.memory_space<vmem>>, vector<1x16xf32>,
        %swap3A_401 = vector.shape_cast %swap3A_400 : vector<1x16xf32> to vector<16xf32>
        %swap3A_402 = vector.shape_cast %mul3A_393 : vector<16xf32> to vector<1x16xf32>
        tpu.vector_store %swap3A_397[%swap3A_398, %swap3A_399], %swap3A_402 {strides = array<i32>} : memref<128x128xf32, #tpu.memory_space<vmem>>, vector<1x16xf32>,
        %get3A_403 = arith.constant 0 : i32
        %get3A_404 = arith.constant 0 : i32
        %get3A_405 = tpu.memref_slice %arg6[%scan3A_204, %get3A_403, %get3A_404] : memref<2x256x128xf32, #tpu.memory_space<vmem>> -> memref<1x256x128xf32, #tpu.memory_space<vmem>>
        %get3A_406 = tpu.memref_squeeze %get3A_405 : memref<1x256x128xf32, #tpu.memory_space<vmem>> -> memref<256x128xf32, #tpu.memory_space<vmem>>
        %get3A_407 = arith.constant 128 : i32
        %get3A_408 = arith.constant 0 : i32
        %get3A_409 = tpu.memref_slice %get3A_406[%get3A_407, %get3A_408] : memref<256x128xf32, #tpu.memory_space<vmem>> -> memref<128x128xf32, #tpu.memory_space<vmem>>
        %get3A_410 = arith.index_cast %scan3A_357 : i32 to index
        %get3A_411 = arith.constant 32 : index
        %get3A_412 = tpu.vector_load %get3A_409[%get3A_410, %get3A_411] {strides = array<i32>} : memref<128x128xf32, #tpu.memory_space<vmem>>, vector<1x16xf32>,
        %get3A_413 = vector.shape_cast %get3A_412 : vector<1x16xf32> to vector<16xf32>
        %mul3A_414 = arith.constant 11.3137083 : f32
        %mul3A_415 = vector.broadcast %mul3A_414 : f32 to vector<16xf32>
        %mul3A_416 = arith.mulf %get3A_413, %mul3A_415 : vector<16xf32>
        %swap3A_417 = arith.constant 0 : i32
        %swap3A_418 = arith.constant 0 : i32
        %swap3A_419 = tpu.memref_slice %arg7[%scan3A_205, %swap3A_417, %swap3A_418] : memref<2x128x128xf32, #tpu.memory_space<vmem>> -> memref<1x128x128xf32, #tpu.memory_space<vmem>>
        %swap3A_420 = tpu.memref_squeeze %swap3A_419 : memref<1x128x128xf32, #tpu.memory_space<vmem>> -> memref<128x128xf32, #tpu.memory_space<vmem>>
        %swap3A_421 = arith.index_cast %scan3A_357 : i32 to index
        %swap3A_422 = arith.constant 32 : index
        %swap3A_423 = tpu.vector_load %swap3A_420[%swap3A_421, %swap3A_422] {strides = array<i32>} : memref<128x128xf32, #tpu.memory_space<vmem>>, vector<1x16xf32>,
        %swap3A_424 = vector.shape_cast %swap3A_423 : vector<1x16xf32> to vector<16xf32>
        %swap3A_425 = vector.shape_cast %mul3A_416 : vector<16xf32> to vector<1x16xf32>
        tpu.vector_store %swap3A_420[%swap3A_421, %swap3A_422], %swap3A_425 {strides = array<i32>} : memref<128x128xf32, #tpu.memory_space<vmem>>, vector<1x16xf32>,
        %get3A_426 = arith.constant 0 : i32
        %get3A_427 = arith.constant 0 : i32
        %get3A_428 = tpu.memref_slice %arg6[%scan3A_204, %get3A_426, %get3A_427] : memref<2x256x128xf32, #tpu.memory_space<vmem>> -> memref<1x256x128xf32, #tpu.memory_space<vmem>>
        %get3A_429 = tpu.memref_squeeze %get3A_428 : memref<1x256x128xf32, #tpu.memory_space<vmem>> -> memref<256x128xf32, #tpu.memory_space<vmem>>
        %get3A_430 = arith.constant 128 : i32
        %get3A_431 = arith.constant 0 : i32
        %get3A_432 = tpu.memref_slice %get3A_429[%get3A_430, %get3A_431] : memref<256x128xf32, #tpu.memory_space<vmem>> -> memref<128x128xf32, #tpu.memory_space<vmem>>
        %get3A_433 = arith.index_cast %scan3A_357 : i32 to index
        %get3A_434 = arith.constant 48 : index
        %get3A_435 = tpu.vector_load %get3A_432[%get3A_433, %get3A_434] {strides = array<i32>} : memref<128x128xf32, #tpu.memory_space<vmem>>, vector<1x16xf32>,
        %get3A_436 = vector.shape_cast %get3A_435 : vector<1x16xf32> to vector<16xf32>
        %mul3A_437 = arith.constant 11.3137083 : f32
        %mul3A_438 = vector.broadcast %mul3A_437 : f32 to vector<16xf32>
        %mul3A_439 = arith.mulf %get3A_436, %mul3A_438 : vector<16xf32>
        %swap3A_440 = arith.constant 0 : i32
        %swap3A_441 = arith.constant 0 : i32
        %swap3A_442 = tpu.memref_slice %arg7[%scan3A_205, %swap3A_440, %swap3A_441] : memref<2x128x128xf32, #tpu.memory_space<vmem>> -> memref<1x128x128xf32, #tpu.memory_space<vmem>>
        %swap3A_443 = tpu.memref_squeeze %swap3A_442 : memref<1x128x128xf32, #tpu.memory_space<vmem>> -> memref<128x128xf32, #tpu.memory_space<vmem>>
        %swap3A_444 = arith.index_cast %scan3A_357 : i32 to index
        %swap3A_445 = arith.constant 48 : index
        %swap3A_446 = tpu.vector_load %swap3A_443[%swap3A_444, %swap3A_445] {strides = array<i32>} : memref<128x128xf32, #tpu.memory_space<vmem>>, vector<1x16xf32>,
        %swap3A_447 = vector.shape_cast %swap3A_446 : vector<1x16xf32> to vector<16xf32>
        %swap3A_448 = vector.shape_cast %mul3A_439 : vector<16xf32> to vector<1x16xf32>
        tpu.vector_store %swap3A_443[%swap3A_444, %swap3A_445], %swap3A_448 {strides = array<i32>} : memref<128x128xf32, #tpu.memory_space<vmem>>, vector<1x16xf32>,
        %get3A_449 = arith.constant 0 : i32
        %get3A_450 = arith.constant 0 : i32
        %get3A_451 = tpu.memref_slice %arg6[%scan3A_204, %get3A_449, %get3A_450] : memref<2x256x128xf32, #tpu.memory_space<vmem>> -> memref<1x256x128xf32, #tpu.memory_space<vmem>>
        %get3A_452 = tpu.memref_squeeze %get3A_451 : memref<1x256x128xf32, #tpu.memory_space<vmem>> -> memref<256x128xf32, #tpu.memory_space<vmem>>
        %get3A_453 = arith.constant 128 : i32
        %get3A_454 = arith.constant 0 : i32
        %get3A_455 = tpu.memref_slice %get3A_452[%get3A_453, %get3A_454] : memref<256x128xf32, #tpu.memory_space<vmem>> -> memref<128x128xf32, #tpu.memory_space<vmem>>
        %get3A_456 = arith.index_cast %scan3A_357 : i32 to index
        %get3A_457 = arith.constant 64 : index
        %get3A_458 = tpu.vector_load %get3A_455[%get3A_456, %get3A_457] {strides = array<i32>} : memref<128x128xf32, #tpu.memory_space<vmem>>, vector<1x16xf32>,
        %get3A_459 = vector.shape_cast %get3A_458 : vector<1x16xf32> to vector<16xf32>
        %mul3A_460 = arith.constant 11.3137083 : f32
        %mul3A_461 = vector.broadcast %mul3A_460 : f32 to vector<16xf32>
        %mul3A_462 = arith.mulf %get3A_459, %mul3A_461 : vector<16xf32>
        %swap3A_463 = arith.constant 0 : i32
        %swap3A_464 = arith.constant 0 : i32
        %swap3A_465 = tpu.memref_slice %arg7[%scan3A_205, %swap3A_463, %swap3A_464] : memref<2x128x128xf32, #tpu.memory_space<vmem>> -> memref<1x128x128xf32, #tpu.memory_space<vmem>>
        %swap3A_466 = tpu.memref_squeeze %swap3A_465 : memref<1x128x128xf32, #tpu.memory_space<vmem>> -> memref<128x128xf32, #tpu.memory_space<vmem>>
        %swap3A_467 = arith.index_cast %scan3A_357 : i32 to index
        %swap3A_468 = arith.constant 64 : index
        %swap3A_469 = tpu.vector_load %swap3A_466[%swap3A_467, %swap3A_468] {strides = array<i32>} : memref<128x128xf32, #tpu.memory_space<vmem>>, vector<1x16xf32>,
        %swap3A_470 = vector.shape_cast %swap3A_469 : vector<1x16xf32> to vector<16xf32>
        %swap3A_471 = vector.shape_cast %mul3A_462 : vector<16xf32> to vector<1x16xf32>
        tpu.vector_store %swap3A_466[%swap3A_467, %swap3A_468], %swap3A_471 {strides = array<i32>} : memref<128x128xf32, #tpu.memory_space<vmem>>, vector<1x16xf32>,
        %get3A_472 = arith.constant 0 : i32
        %get3A_473 = arith.constant 0 : i32
        %get3A_474 = tpu.memref_slice %arg6[%scan3A_204, %get3A_472, %get3A_473] : memref<2x256x128xf32, #tpu.memory_space<vmem>> -> memref<1x256x128xf32, #tpu.memory_space<vmem>>
        %get3A_475 = tpu.memref_squeeze %get3A_474 : memref<1x256x128xf32, #tpu.memory_space<vmem>> -> memref<256x128xf32, #tpu.memory_space<vmem>>
        %get3A_476 = arith.constant 128 : i32
        %get3A_477 = arith.constant 0 : i32
        %get3A_478 = tpu.memref_slice %get3A_475[%get3A_476, %get3A_477] : memref<256x128xf32, #tpu.memory_space<vmem>> -> memref<128x128xf32, #tpu.memory_space<vmem>>
        %get3A_479 = arith.index_cast %scan3A_357 : i32 to index
        %get3A_480 = arith.constant 80 : index
        %get3A_481 = tpu.vector_load %get3A_478[%get3A_479, %get3A_480] {strides = array<i32>} : memref<128x128xf32, #tpu.memory_space<vmem>>, vector<1x16xf32>,
        %get3A_482 = vector.shape_cast %get3A_481 : vector<1x16xf32> to vector<16xf32>
        %mul3A_483 = arith.constant 11.3137083 : f32
        %mul3A_484 = vector.broadcast %mul3A_483 : f32 to vector<16xf32>
        %mul3A_485 = arith.mulf %get3A_482, %mul3A_484 : vector<16xf32>
        %swap3A_486 = arith.constant 0 : i32
        %swap3A_487 = arith.constant 0 : i32
        %swap3A_488 = tpu.memref_slice %arg7[%scan3A_205, %swap3A_486, %swap3A_487] : memref<2x128x128xf32, #tpu.memory_space<vmem>> -> memref<1x128x128xf32, #tpu.memory_space<vmem>>
        %swap3A_489 = tpu.memref_squeeze %swap3A_488 : memref<1x128x128xf32, #tpu.memory_space<vmem>> -> memref<128x128xf32, #tpu.memory_space<vmem>>
        %swap3A_490 = arith.index_cast %scan3A_357 : i32 to index
        %swap3A_491 = arith.constant 80 : index
        %swap3A_492 = tpu.vector_load %swap3A_489[%swap3A_490, %swap3A_491] {strides = array<i32>} : memref<128x128xf32, #tpu.memory_space<vmem>>, vector<1x16xf32>,
        %swap3A_493 = vector.shape_cast %swap3A_492 : vector<1x16xf32> to vector<16xf32>
        %swap3A_494 = vector.shape_cast %mul3A_485 : vector<16xf32> to vector<1x16xf32>
        tpu.vector_store %swap3A_489[%swap3A_490, %swap3A_491], %swap3A_494 {strides = array<i32>} : memref<128x128xf32, #tpu.memory_space<vmem>>, vector<1x16xf32>,
        %get3A_495 = arith.constant 0 : i32
        %get3A_496 = arith.constant 0 : i32
        %get3A_497 = tpu.memref_slice %arg6[%scan3A_204, %get3A_495, %get3A_496] : memref<2x256x128xf32, #tpu.memory_space<vmem>> -> memref<1x256x128xf32, #tpu.memory_space<vmem>>
        %get3A_498 = tpu.memref_squeeze %get3A_497 : memref<1x256x128xf32, #tpu.memory_space<vmem>> -> memref<256x128xf32, #tpu.memory_space<vmem>>
        %get3A_499 = arith.constant 128 : i32
        %get3A_500 = arith.constant 0 : i32
        %get3A_501 = tpu.memref_slice %get3A_498[%get3A_499, %get3A_500] : memref<256x128xf32, #tpu.memory_space<vmem>> -> memref<128x128xf32, #tpu.memory_space<vmem>>
        %get3A_502 = arith.index_cast %scan3A_357 : i32 to index
        %get3A_503 = arith.constant 96 : index
        %get3A_504 = tpu.vector_load %get3A_501[%get3A_502, %get3A_503] {strides = array<i32>} : memref<128x128xf32, #tpu.memory_space<vmem>>, vector<1x16xf32>,
        %get3A_505 = vector.shape_cast %get3A_504 : vector<1x16xf32> to vector<16xf32>
        %mul3A_506 = arith.constant 11.3137083 : f32
        %mul3A_507 = vector.broadcast %mul3A_506 : f32 to vector<16xf32>
        %mul3A_508 = arith.mulf %get3A_505, %mul3A_507 : vector<16xf32>
        %swap3A_509 = arith.constant 0 : i32
        %swap3A_510 = arith.constant 0 : i32
        %swap3A_511 = tpu.memref_slice %arg7[%scan3A_205, %swap3A_509, %swap3A_510] : memref<2x128x128xf32, #tpu.memory_space<vmem>> -> memref<1x128x128xf32, #tpu.memory_space<vmem>>
        %swap3A_512 = tpu.memref_squeeze %swap3A_511 : memref<1x128x128xf32, #tpu.memory_space<vmem>> -> memref<128x128xf32, #tpu.memory_space<vmem>>
        %swap3A_513 = arith.index_cast %scan3A_357 : i32 to index
        %swap3A_514 = arith.constant 96 : index
        %swap3A_515 = tpu.vector_load %swap3A_512[%swap3A_513, %swap3A_514] {strides = array<i32>} : memref<128x128xf32, #tpu.memory_space<vmem>>, vector<1x16xf32>,
        %swap3A_516 = vector.shape_cast %swap3A_515 : vector<1x16xf32> to vector<16xf32>
        %swap3A_517 = vector.shape_cast %mul3A_508 : vector<16xf32> to vector<1x16xf32>
        tpu.vector_store %swap3A_512[%swap3A_513, %swap3A_514], %swap3A_517 {strides = array<i32>} : memref<128x128xf32, #tpu.memory_space<vmem>>, vector<1x16xf32>,
        %get3A_518 = arith.constant 0 : i32
        %get3A_519 = arith.constant 0 : i32
        %get3A_520 = tpu.memref_slice %arg6[%scan3A_204, %get3A_518, %get3A_519] : memref<2x256x128xf32, #tpu.memory_space<vmem>> -> memref<1x256x128xf32, #tpu.memory_space<vmem>>
        %get3A_521 = tpu.memref_squeeze %get3A_520 : memref<1x256x128xf32, #tpu.memory_space<vmem>> -> memref<256x128xf32, #tpu.memory_space<vmem>>
        %get3A_522 = arith.constant 128 : i32
        %get3A_523 = arith.constant 0 : i32
        %get3A_524 = tpu.memref_slice %get3A_521[%get3A_522, %get3A_523] : memref<256x128xf32, #tpu.memory_space<vmem>> -> memref<128x128xf32, #tpu.memory_space<vmem>>
        %get3A_525 = arith.index_cast %scan3A_357 : i32 to index
        %get3A_526 = arith.constant 112 : index
        %get3A_527 = tpu.vector_load %get3A_524[%get3A_525, %get3A_526] {strides = array<i32>} : memref<128x128xf32, #tpu.memory_space<vmem>>, vector<1x16xf32>,
        %get3A_528 = vector.shape_cast %get3A_527 : vector<1x16xf32> to vector<16xf32>
        %mul3A_529 = arith.constant 11.3137083 : f32
        %mul3A_530 = vector.broadcast %mul3A_529 : f32 to vector<16xf32>
        %mul3A_531 = arith.mulf %get3A_528, %mul3A_530 : vector<16xf32>
        %swap3A_532 = arith.constant 0 : i32
        %swap3A_533 = arith.constant 0 : i32
        %swap3A_534 = tpu.memref_slice %arg7[%scan3A_205, %swap3A_532, %swap3A_533] : memref<2x128x128xf32, #tpu.memory_space<vmem>> -> memref<1x128x128xf32, #tpu.memory_space<vmem>>
        %swap3A_535 = tpu.memref_squeeze %swap3A_534 : memref<1x128x128xf32, #tpu.memory_space<vmem>> -> memref<128x128xf32, #tpu.memory_space<vmem>>
        %swap3A_536 = arith.index_cast %scan3A_357 : i32 to index
        %swap3A_537 = arith.constant 112 : index
        %swap3A_538 = tpu.vector_load %swap3A_535[%swap3A_536, %swap3A_537] {strides = array<i32>} : memref<128x128xf32, #tpu.memory_space<vmem>>, vector<1x16xf32>,
        %swap3A_539 = vector.shape_cast %swap3A_538 : vector<1x16xf32> to vector<16xf32>
        %swap3A_540 = vector.shape_cast %mul3A_531 : vector<16xf32> to vector<1x16xf32>
        tpu.vector_store %swap3A_535[%swap3A_536, %swap3A_537], %swap3A_540 {strides = array<i32>} : memref<128x128xf32, #tpu.memory_space<vmem>>, vector<1x16xf32>,
        %scan3A_541 = arith.constant 0 : i32
        scf.yield %scan3A_541 : i32
      }
      %scan3A_212 = arith.constant 128 : i32
      %mul3A_213 = arith.constant 256 : i32
      %mul3A_214 = arith.muli %mul3A_160, %mul3A_213 : i32
      %add3A_215 = arith.addi %mul3A_2, %mul3A_214 : i32
      %add3A_216 = arith.constant 128 : i32
      %add3A_217 = arith.addi %add3A_215, %add3A_216 : i32
      %dma_start3A_218 = arith.constant 1 : i32
      %dma_start3A_219 = arith.constant 0 : i32
      %dma_start3A_220 = arith.constant 0 : i32
      %dma_start3A_221 = tpu.memref_slice %arg7[%dma_start3A_218, %dma_start3A_219, %dma_start3A_220] : memref<2x128x128xf32, #tpu.memory_space<vmem>> -> memref<1x128x128xf32, #tpu.memory_space<vmem>>
      %dma_start3A_222 = tpu.memref_squeeze %dma_start3A_221 : memref<1x128x128xf32, #tpu.memory_space<vmem>> -> memref<128x128xf32, #tpu.memory_space<vmem>>
      %dma_start3A_223 = arith.constant 0 : i32
      %dma_start3A_224 = tpu.memref_slice %arg4[%add3A_217, %dma_start3A_223] : memref<204800x128xf32, #tpu.memory_space<hbm>> -> memref<128x128xf32, #tpu.memory_space<hbm>>
      %dma_start3A_225 = arith.constant 0 : i32
      %dma_start3A_226 = tpu.memref_slice %arg4[%add3A_217, %dma_start3A_225] : memref<204800x128xf32, #tpu.memory_space<hbm>> -> memref<128x128xf32, #tpu.memory_space<hbm>>
      %dma_start3A_227 = arith.constant 0 : i32
      %dma_start3A_228 = arith.constant 0 : i32
      %dma_start3A_229 = tpu.memref_slice %arg7[%dma_start3A_218, %dma_start3A_227, %dma_start3A_228] : memref<2x128x128xf32, #tpu.memory_space<vmem>> -> memref<1x128x128xf32, #tpu.memory_space<vmem>>
      %dma_start3A_230 = tpu.memref_squeeze %dma_start3A_229 : memref<1x128x128xf32, #tpu.memory_space<vmem>> -> memref<128x128xf32, #tpu.memory_space<vmem>>
      tpu.enqueue_dma source(%dma_start3A_230 : memref<128x128xf32, #tpu.memory_space<vmem>>) target(%dma_start3A_226 : memref<128x128xf32, #tpu.memory_space<hbm>>) target_semaphore(%arg11 : memref<!tpu.dma_semaphore, #tpu.memory_space<semaphore_mem>>)
      %add3A_231 = arith.constant 2 : i32
      %add3A_232 = arith.addi %mul3A_160, %add3A_231 : i32
      %mul3A_233 = arith.constant 256 : i32
      %mul3A_234 = arith.muli %add3A_232, %mul3A_233 : i32
      %dma_start3A_235 = arith.constant 0 : i32
      %dma_start3A_236 = arith.constant 0 : i32
      %dma_start3A_237 = arith.constant 0 : i32
      %dma_start3A_238 = tpu.memref_slice %arg6[%dma_start3A_235, %dma_start3A_236, %dma_start3A_237] : memref<2x256x128xf32, #tpu.memory_space<vmem>> -> memref<1x256x128xf32, #tpu.memory_space<vmem>>
      %dma_start3A_239 = tpu.memref_squeeze %dma_start3A_238 : memref<1x256x128xf32, #tpu.memory_space<vmem>> -> memref<256x128xf32, #tpu.memory_space<vmem>>
      %dma_start3A_240 = tpu.memref_slice %arg5[%mul3A_234] : memref<6400xi32, #tpu.memory_space<vmem>> -> memref<256xi32, #tpu.memory_space<vmem>>
      %dma_start3A_241 = arith.constant 0 : i32
      %dma_start3A_242 = arith.constant 0 : i32
      %dma_start3A_243 = tpu.memref_slice %arg2[%dma_start3A_241, %dma_start3A_242] : memref<100000x128xf32, #tpu.memory_space<hbm>> -> memref<100000x128xf32, #tpu.memory_space<hbm>>
      tpu.enqueue_indirect_dma source(%dma_start3A_243 : memref<100000x128xf32, #tpu.memory_space<hbm>>) target(%dma_start3A_239 : memref<256x128xf32, #tpu.memory_space<vmem>>) offsets(%dma_start3A_240 : memref<256xi32, #tpu.memory_space<vmem>>) semaphore(%arg8 : memref<!tpu.dma_semaphore, #tpu.memory_space<semaphore_mem>>)
      %mul3A_244 = arith.constant 2 : i32
      %mul3A_245 = arith.muli %mul3A_244, %scan3A_157 : i32
      %add3A_246 = arith.constant 1 : i32
      %add3A_247 = arith.addi %mul3A_245, %add3A_246 : i32
      %le3A = arith.constant 10 : i32
      %le3A_248 = arith.cmpi sle, %scan3A_157, %le3A : i32
      %mul3A_249 = arith.constant 256 : i32
      %mul3A_250 = arith.muli %add3A_247, %mul3A_249 : i32
      %dma_wait3A_251 = arith.constant 1 : i32
      %dma_wait3A_252 = arith.constant 0 : i32
      %dma_wait3A_253 = arith.constant 0 : i32
      %dma_wait3A_254 = tpu.memref_slice %arg6[%dma_wait3A_251, %dma_wait3A_252, %dma_wait3A_253] : memref<2x256x128xf32, #tpu.memory_space<vmem>> -> memref<1x256x128xf32, #tpu.memory_space<vmem>>
      %dma_wait3A_255 = tpu.memref_squeeze %dma_wait3A_254 : memref<1x256x128xf32, #tpu.memory_space<vmem>> -> memref<256x128xf32, #tpu.memory_space<vmem>>
      %dma_wait3A_256 = tpu.memref_slice %arg5[%mul3A_250] : memref<6400xi32, #tpu.memory_space<vmem>> -> memref<256xi32, #tpu.memory_space<vmem>>
      %dma_wait3A_257 = arith.constant 0 : i32
      %dma_wait3A_258 = arith.constant 0 : i32
      %dma_wait3A_259 = tpu.memref_slice %arg2[%dma_wait3A_257, %dma_wait3A_258] : memref<100000x128xf32, #tpu.memory_space<hbm>> -> memref<100000x128xf32, #tpu.memory_space<hbm>>
      tpu.wait_indirect_dma semaphore(%arg9 : memref<!tpu.dma_semaphore, #tpu.memory_space<semaphore_mem>>) src(%dma_wait3A_259 : memref<100000x128xf32, #tpu.memory_space<hbm>>) dst(%dma_wait3A_255 : memref<256x128xf32, #tpu.memory_space<vmem>>)
      %sub3A = arith.constant 1 : i32
      %sub3A_260 = arith.subi %add3A_247, %sub3A : i32
      %mul3A_261 = arith.constant 256 : i32
      %mul3A_262 = arith.muli %sub3A_260, %mul3A_261 : i32
      %add3A_263 = arith.addi %mul3A_2, %mul3A_262 : i32
      %add3A_264 = arith.constant 0 : i32
      %add3A_265 = arith.addi %add3A_263, %add3A_264 : i32
      %dma_wait3A_266 = arith.constant 0 : i32
      %dma_wait3A_267 = arith.constant 0 : i32
      %dma_wait3A_268 = arith.constant 0 : i32
      %dma_wait3A_269 = tpu.memref_slice %arg7[%dma_wait3A_266, %dma_wait3A_267, %dma_wait3A_268] : memref<2x128x128xf32, #tpu.memory_space<vmem>> -> memref<1x128x128xf32, #tpu.memory_space<vmem>>
      %dma_wait3A_270 = tpu.memref_squeeze %dma_wait3A_269 : memref<1x128x128xf32, #tpu.memory_space<vmem>> -> memref<128x128xf32, #tpu.memory_space<vmem>>
      %dma_wait3A_271 = arith.constant 0 : i32
      %dma_wait3A_272 = tpu.memref_slice %arg4[%add3A_265, %dma_wait3A_271] : memref<204800x128xf32, #tpu.memory_space<hbm>> -> memref<128x128xf32, #tpu.memory_space<hbm>>
      %dma_wait3A_273 = arith.constant 0 : i32
      %dma_wait3A_274 = tpu.memref_slice %arg4[%add3A_265, %dma_wait3A_273] : memref<204800x128xf32, #tpu.memory_space<hbm>> -> memref<128x128xf32, #tpu.memory_space<hbm>>
      %dma_wait3A_275 = arith.constant 0 : i32
      %dma_wait3A_276 = arith.constant 0 : i32
      %dma_wait3A_277 = tpu.memref_slice %arg7[%dma_wait3A_266, %dma_wait3A_275, %dma_wait3A_276] : memref<2x128x128xf32, #tpu.memory_space<vmem>> -> memref<1x128x128xf32, #tpu.memory_space<vmem>>
      %dma_wait3A_278 = tpu.memref_squeeze %dma_wait3A_277 : memref<1x128x128xf32, #tpu.memory_space<vmem>> -> memref<128x128xf32, #tpu.memory_space<vmem>>
      tpu.wait_dma2 semaphore(%arg10 : memref<!tpu.dma_semaphore, #tpu.memory_space<semaphore_mem>>) src(%dma_wait3A_278 : memref<128x128xf32, #tpu.memory_space<vmem>>) dst(%dma_wait3A_274 : memref<128x128xf32, #tpu.memory_space<hbm>>)
      %scan3A_279 = arith.constant 1 : i32
      %scan3A_280 = arith.constant 0 : i32
      %scan3A_281 = arith.constant 0 : i32
      %scan3A_282 = arith.constant 0 : i32
      %scan3A_283 = arith.constant 128 : i32
      %scan3A_284 = arith.addi %scan3A_282, %scan3A_283 : i32
      %scan3A_285 = arith.constant 1 : i32
      %scan3A_286 = scf.for %scan3A_357 = %scan3A_282 to %scan3A_284 step %scan3A_285 iter_args(%scan3A_358 = %scan3A_281) -> (i32)  : i32 {
        %get3A = arith.constant 0 : i32
        %get3A_359 = arith.constant 0 : i32
        %get3A_360 = tpu.memref_slice %arg6[%scan3A_279, %get3A, %get3A_359] : memref<2x256x128xf32, #tpu.memory_space<vmem>> -> memref<1x256x128xf32, #tpu.memory_space<vmem>>
        %get3A_361 = tpu.memref_squeeze %get3A_360 : memref<1x256x128xf32, #tpu.memory_space<vmem>> -> memref<256x128xf32, #tpu.memory_space<vmem>>
        %get3A_362 = arith.constant 0 : i32
        %get3A_363 = arith.constant 0 : i32
        %get3A_364 = tpu.memref_slice %get3A_361[%get3A_362, %get3A_363] : memref<256x128xf32, #tpu.memory_space<vmem>> -> memref<128x128xf32, #tpu.memory_space<vmem>>
        %get3A_365 = arith.index_cast %scan3A_357 : i32 to index
        %get3A_366 = arith.constant 0 : index
        %get3A_367 = tpu.vector_load %get3A_364[%get3A_365, %get3A_366] {strides = array<i32>} : memref<128x128xf32, #tpu.memory_space<vmem>>, vector<1x16xf32>,
        %get3A_368 = vector.shape_cast %get3A_367 : vector<1x16xf32> to vector<16xf32>
        %mul3A_369 = arith.constant 11.3137083 : f32
        %mul3A_370 = vector.broadcast %mul3A_369 : f32 to vector<16xf32>
        %mul3A_371 = arith.mulf %get3A_368, %mul3A_370 : vector<16xf32>
        %swap3A = arith.constant 0 : i32
        %swap3A_372 = arith.constant 0 : i32
        %swap3A_373 = tpu.memref_slice %arg7[%scan3A_280, %swap3A, %swap3A_372] : memref<2x128x128xf32, #tpu.memory_space<vmem>> -> memref<1x128x128xf32, #tpu.memory_space<vmem>>
        %swap3A_374 = tpu.memref_squeeze %swap3A_373 : memref<1x128x128xf32, #tpu.memory_space<vmem>> -> memref<128x128xf32, #tpu.memory_space<vmem>>
        %swap3A_375 = arith.index_cast %scan3A_357 : i32 to index
        %swap3A_376 = arith.constant 0 : index
        %swap3A_377 = tpu.vector_load %swap3A_374[%swap3A_375, %swap3A_376] {strides = array<i32>} : memref<128x128xf32, #tpu.memory_space<vmem>>, vector<1x16xf32>,
        %swap3A_378 = vector.shape_cast %swap3A_377 : vector<1x16xf32> to vector<16xf32>
        %swap3A_379 = vector.shape_cast %mul3A_371 : vector<16xf32> to vector<1x16xf32>
        tpu.vector_store %swap3A_374[%swap3A_375, %swap3A_376], %swap3A_379 {strides = array<i32>} : memref<128x128xf32, #tpu.memory_space<vmem>>, vector<1x16xf32>,
        %get3A_380 = arith.constant 0 : i32
        %get3A_381 = arith.constant 0 : i32
        %get3A_382 = tpu.memref_slice %arg6[%scan3A_279, %get3A_380, %get3A_381] : memref<2x256x128xf32, #tpu.memory_space<vmem>> -> memref<1x256x128xf32, #tpu.memory_space<vmem>>
        %get3A_383 = tpu.memref_squeeze %get3A_382 : memref<1x256x128xf32, #tpu.memory_space<vmem>> -> memref<256x128xf32, #tpu.memory_space<vmem>>
        %get3A_384 = arith.constant 0 : i32
        %get3A_385 = arith.constant 0 : i32
        %get3A_386 = tpu.memref_slice %get3A_383[%get3A_384, %get3A_385] : memref<256x128xf32, #tpu.memory_space<vmem>> -> memref<128x128xf32, #tpu.memory_space<vmem>>
        %get3A_387 = arith.index_cast %scan3A_357 : i32 to index
        %get3A_388 = arith.constant 16 : index
        %get3A_389 = tpu.vector_load %get3A_386[%get3A_387, %get3A_388] {strides = array<i32>} : memref<128x128xf32, #tpu.memory_space<vmem>>, vector<1x16xf32>,
        %get3A_390 = vector.shape_cast %get3A_389 : vector<1x16xf32> to vector<16xf32>
        %mul3A_391 = arith.constant 11.3137083 : f32
        %mul3A_392 = vector.broadcast %mul3A_391 : f32 to vector<16xf32>
        %mul3A_393 = arith.mulf %get3A_390, %mul3A_392 : vector<16xf32>
        %swap3A_394 = arith.constant 0 : i32
        %swap3A_395 = arith.constant 0 : i32
        %swap3A_396 = tpu.memref_slice %arg7[%scan3A_280, %swap3A_394, %swap3A_395] : memref<2x128x128xf32, #tpu.memory_space<vmem>> -> memref<1x128x128xf32, #tpu.memory_space<vmem>>
        %swap3A_397 = tpu.memref_squeeze %swap3A_396 : memref<1x128x128xf32, #tpu.memory_space<vmem>> -> memref<128x128xf32, #tpu.memory_space<vmem>>
        %swap3A_398 = arith.index_cast %scan3A_357 : i32 to index
        %swap3A_399 = arith.constant 16 : index
        %swap3A_400 = tpu.vector_load %swap3A_397[%swap3A_398, %swap3A_399] {strides = array<i32>} : memref<128x128xf32, #tpu.memory_space<vmem>>, vector<1x16xf32>,
        %swap3A_401 = vector.shape_cast %swap3A_400 : vector<1x16xf32> to vector<16xf32>
        %swap3A_402 = vector.shape_cast %mul3A_393 : vector<16xf32> to vector<1x16xf32>
        tpu.vector_store %swap3A_397[%swap3A_398, %swap3A_399], %swap3A_402 {strides = array<i32>} : memref<128x128xf32, #tpu.memory_space<vmem>>, vector<1x16xf32>,
        %get3A_403 = arith.constant 0 : i32
        %get3A_404 = arith.constant 0 : i32
        %get3A_405 = tpu.memref_slice %arg6[%scan3A_279, %get3A_403, %get3A_404] : memref<2x256x128xf32, #tpu.memory_space<vmem>> -> memref<1x256x128xf32, #tpu.memory_space<vmem>>
        %get3A_406 = tpu.memref_squeeze %get3A_405 : memref<1x256x128xf32, #tpu.memory_space<vmem>> -> memref<256x128xf32, #tpu.memory_space<vmem>>
        %get3A_407 = arith.constant 0 : i32
        %get3A_408 = arith.constant 0 : i32
        %get3A_409 = tpu.memref_slice %get3A_406[%get3A_407, %get3A_408] : memref<256x128xf32, #tpu.memory_space<vmem>> -> memref<128x128xf32, #tpu.memory_space<vmem>>
        %get3A_410 = arith.index_cast %scan3A_357 : i32 to index
        %get3A_411 = arith.constant 32 : index
        %get3A_412 = tpu.vector_load %get3A_409[%get3A_410, %get3A_411] {strides = array<i32>} : memref<128x128xf32, #tpu.memory_space<vmem>>, vector<1x16xf32>,
        %get3A_413 = vector.shape_cast %get3A_412 : vector<1x16xf32> to vector<16xf32>
        %mul3A_414 = arith.constant 11.3137083 : f32
        %mul3A_415 = vector.broadcast %mul3A_414 : f32 to vector<16xf32>
        %mul3A_416 = arith.mulf %get3A_413, %mul3A_415 : vector<16xf32>
        %swap3A_417 = arith.constant 0 : i32
        %swap3A_418 = arith.constant 0 : i32
        %swap3A_419 = tpu.memref_slice %arg7[%scan3A_280, %swap3A_417, %swap3A_418] : memref<2x128x128xf32, #tpu.memory_space<vmem>> -> memref<1x128x128xf32, #tpu.memory_space<vmem>>
        %swap3A_420 = tpu.memref_squeeze %swap3A_419 : memref<1x128x128xf32, #tpu.memory_space<vmem>> -> memref<128x128xf32, #tpu.memory_space<vmem>>
        %swap3A_421 = arith.index_cast %scan3A_357 : i32 to index
        %swap3A_422 = arith.constant 32 : index
        %swap3A_423 = tpu.vector_load %swap3A_420[%swap3A_421, %swap3A_422] {strides = array<i32>} : memref<128x128xf32, #tpu.memory_space<vmem>>, vector<1x16xf32>,
        %swap3A_424 = vector.shape_cast %swap3A_423 : vector<1x16xf32> to vector<16xf32>
        %swap3A_425 = vector.shape_cast %mul3A_416 : vector<16xf32> to vector<1x16xf32>
        tpu.vector_store %swap3A_420[%swap3A_421, %swap3A_422], %swap3A_425 {strides = array<i32>} : memref<128x128xf32, #tpu.memory_space<vmem>>, vector<1x16xf32>,
        %get3A_426 = arith.constant 0 : i32
        %get3A_427 = arith.constant 0 : i32
        %get3A_428 = tpu.memref_slice %arg6[%scan3A_279, %get3A_426, %get3A_427] : memref<2x256x128xf32, #tpu.memory_space<vmem>> -> memref<1x256x128xf32, #tpu.memory_space<vmem>>
        %get3A_429 = tpu.memref_squeeze %get3A_428 : memref<1x256x128xf32, #tpu.memory_space<vmem>> -> memref<256x128xf32, #tpu.memory_space<vmem>>
        %get3A_430 = arith.constant 0 : i32
        %get3A_431 = arith.constant 0 : i32
        %get3A_432 = tpu.memref_slice %get3A_429[%get3A_430, %get3A_431] : memref<256x128xf32, #tpu.memory_space<vmem>> -> memref<128x128xf32, #tpu.memory_space<vmem>>
        %get3A_433 = arith.index_cast %scan3A_357 : i32 to index
        %get3A_434 = arith.constant 48 : index
        %get3A_435 = tpu.vector_load %get3A_432[%get3A_433, %get3A_434] {strides = array<i32>} : memref<128x128xf32, #tpu.memory_space<vmem>>, vector<1x16xf32>,
        %get3A_436 = vector.shape_cast %get3A_435 : vector<1x16xf32> to vector<16xf32>
        %mul3A_437 = arith.constant 11.3137083 : f32
        %mul3A_438 = vector.broadcast %mul3A_437 : f32 to vector<16xf32>
        %mul3A_439 = arith.mulf %get3A_436, %mul3A_438 : vector<16xf32>
        %swap3A_440 = arith.constant 0 : i32
        %swap3A_441 = arith.constant 0 : i32
        %swap3A_442 = tpu.memref_slice %arg7[%scan3A_280, %swap3A_440, %swap3A_441] : memref<2x128x128xf32, #tpu.memory_space<vmem>> -> memref<1x128x128xf32, #tpu.memory_space<vmem>>
        %swap3A_443 = tpu.memref_squeeze %swap3A_442 : memref<1x128x128xf32, #tpu.memory_space<vmem>> -> memref<128x128xf32, #tpu.memory_space<vmem>>
        %swap3A_444 = arith.index_cast %scan3A_357 : i32 to index
        %swap3A_445 = arith.constant 48 : index
        %swap3A_446 = tpu.vector_load %swap3A_443[%swap3A_444, %swap3A_445] {strides = array<i32>} : memref<128x128xf32, #tpu.memory_space<vmem>>, vector<1x16xf32>,
        %swap3A_447 = vector.shape_cast %swap3A_446 : vector<1x16xf32> to vector<16xf32>
        %swap3A_448 = vector.shape_cast %mul3A_439 : vector<16xf32> to vector<1x16xf32>
        tpu.vector_store %swap3A_443[%swap3A_444, %swap3A_445], %swap3A_448 {strides = array<i32>} : memref<128x128xf32, #tpu.memory_space<vmem>>, vector<1x16xf32>,
        %get3A_449 = arith.constant 0 : i32
        %get3A_450 = arith.constant 0 : i32
        %get3A_451 = tpu.memref_slice %arg6[%scan3A_279, %get3A_449, %get3A_450] : memref<2x256x128xf32, #tpu.memory_space<vmem>> -> memref<1x256x128xf32, #tpu.memory_space<vmem>>
        %get3A_452 = tpu.memref_squeeze %get3A_451 : memref<1x256x128xf32, #tpu.memory_space<vmem>> -> memref<256x128xf32, #tpu.memory_space<vmem>>
        %get3A_453 = arith.constant 0 : i32
        %get3A_454 = arith.constant 0 : i32
        %get3A_455 = tpu.memref_slice %get3A_452[%get3A_453, %get3A_454] : memref<256x128xf32, #tpu.memory_space<vmem>> -> memref<128x128xf32, #tpu.memory_space<vmem>>
        %get3A_456 = arith.index_cast %scan3A_357 : i32 to index
        %get3A_457 = arith.constant 64 : index
        %get3A_458 = tpu.vector_load %get3A_455[%get3A_456, %get3A_457] {strides = array<i32>} : memref<128x128xf32, #tpu.memory_space<vmem>>, vector<1x16xf32>,
        %get3A_459 = vector.shape_cast %get3A_458 : vector<1x16xf32> to vector<16xf32>
        %mul3A_460 = arith.constant 11.3137083 : f32
        %mul3A_461 = vector.broadcast %mul3A_460 : f32 to vector<16xf32>
        %mul3A_462 = arith.mulf %get3A_459, %mul3A_461 : vector<16xf32>
        %swap3A_463 = arith.constant 0 : i32
        %swap3A_464 = arith.constant 0 : i32
        %swap3A_465 = tpu.memref_slice %arg7[%scan3A_280, %swap3A_463, %swap3A_464] : memref<2x128x128xf32, #tpu.memory_space<vmem>> -> memref<1x128x128xf32, #tpu.memory_space<vmem>>
        %swap3A_466 = tpu.memref_squeeze %swap3A_465 : memref<1x128x128xf32, #tpu.memory_space<vmem>> -> memref<128x128xf32, #tpu.memory_space<vmem>>
        %swap3A_467 = arith.index_cast %scan3A_357 : i32 to index
        %swap3A_468 = arith.constant 64 : index
        %swap3A_469 = tpu.vector_load %swap3A_466[%swap3A_467, %swap3A_468] {strides = array<i32>} : memref<128x128xf32, #tpu.memory_space<vmem>>, vector<1x16xf32>,
        %swap3A_470 = vector.shape_cast %swap3A_469 : vector<1x16xf32> to vector<16xf32>
        %swap3A_471 = vector.shape_cast %mul3A_462 : vector<16xf32> to vector<1x16xf32>
        tpu.vector_store %swap3A_466[%swap3A_467, %swap3A_468], %swap3A_471 {strides = array<i32>} : memref<128x128xf32, #tpu.memory_space<vmem>>, vector<1x16xf32>,
        %get3A_472 = arith.constant 0 : i32
        %get3A_473 = arith.constant 0 : i32
        %get3A_474 = tpu.memref_slice %arg6[%scan3A_279, %get3A_472, %get3A_473] : memref<2x256x128xf32, #tpu.memory_space<vmem>> -> memref<1x256x128xf32, #tpu.memory_space<vmem>>
        %get3A_475 = tpu.memref_squeeze %get3A_474 : memref<1x256x128xf32, #tpu.memory_space<vmem>> -> memref<256x128xf32, #tpu.memory_space<vmem>>
        %get3A_476 = arith.constant 0 : i32
        %get3A_477 = arith.constant 0 : i32
        %get3A_478 = tpu.memref_slice %get3A_475[%get3A_476, %get3A_477] : memref<256x128xf32, #tpu.memory_space<vmem>> -> memref<128x128xf32, #tpu.memory_space<vmem>>
        %get3A_479 = arith.index_cast %scan3A_357 : i32 to index
        %get3A_480 = arith.constant 80 : index
        %get3A_481 = tpu.vector_load %get3A_478[%get3A_479, %get3A_480] {strides = array<i32>} : memref<128x128xf32, #tpu.memory_space<vmem>>, vector<1x16xf32>,
        %get3A_482 = vector.shape_cast %get3A_481 : vector<1x16xf32> to vector<16xf32>
        %mul3A_483 = arith.constant 11.3137083 : f32
        %mul3A_484 = vector.broadcast %mul3A_483 : f32 to vector<16xf32>
        %mul3A_485 = arith.mulf %get3A_482, %mul3A_484 : vector<16xf32>
        %swap3A_486 = arith.constant 0 : i32
        %swap3A_487 = arith.constant 0 : i32
        %swap3A_488 = tpu.memref_slice %arg7[%scan3A_280, %swap3A_486, %swap3A_487] : memref<2x128x128xf32, #tpu.memory_space<vmem>> -> memref<1x128x128xf32, #tpu.memory_space<vmem>>
        %swap3A_489 = tpu.memref_squeeze %swap3A_488 : memref<1x128x128xf32, #tpu.memory_space<vmem>> -> memref<128x128xf32, #tpu.memory_space<vmem>>
        %swap3A_490 = arith.index_cast %scan3A_357 : i32 to index
        %swap3A_491 = arith.constant 80 : index
        %swap3A_492 = tpu.vector_load %swap3A_489[%swap3A_490, %swap3A_491] {strides = array<i32>} : memref<128x128xf32, #tpu.memory_space<vmem>>, vector<1x16xf32>,
        %swap3A_493 = vector.shape_cast %swap3A_492 : vector<1x16xf32> to vector<16xf32>
        %swap3A_494 = vector.shape_cast %mul3A_485 : vector<16xf32> to vector<1x16xf32>
        tpu.vector_store %swap3A_489[%swap3A_490, %swap3A_491], %swap3A_494 {strides = array<i32>} : memref<128x128xf32, #tpu.memory_space<vmem>>, vector<1x16xf32>,
        %get3A_495 = arith.constant 0 : i32
        %get3A_496 = arith.constant 0 : i32
        %get3A_497 = tpu.memref_slice %arg6[%scan3A_279, %get3A_495, %get3A_496] : memref<2x256x128xf32, #tpu.memory_space<vmem>> -> memref<1x256x128xf32, #tpu.memory_space<vmem>>
        %get3A_498 = tpu.memref_squeeze %get3A_497 : memref<1x256x128xf32, #tpu.memory_space<vmem>> -> memref<256x128xf32, #tpu.memory_space<vmem>>
        %get3A_499 = arith.constant 0 : i32
        %get3A_500 = arith.constant 0 : i32
        %get3A_501 = tpu.memref_slice %get3A_498[%get3A_499, %get3A_500] : memref<256x128xf32, #tpu.memory_space<vmem>> -> memref<128x128xf32, #tpu.memory_space<vmem>>
        %get3A_502 = arith.index_cast %scan3A_357 : i32 to index
        %get3A_503 = arith.constant 96 : index
        %get3A_504 = tpu.vector_load %get3A_501[%get3A_502, %get3A_503] {strides = array<i32>} : memref<128x128xf32, #tpu.memory_space<vmem>>, vector<1x16xf32>,
        %get3A_505 = vector.shape_cast %get3A_504 : vector<1x16xf32> to vector<16xf32>
        %mul3A_506 = arith.constant 11.3137083 : f32
        %mul3A_507 = vector.broadcast %mul3A_506 : f32 to vector<16xf32>
        %mul3A_508 = arith.mulf %get3A_505, %mul3A_507 : vector<16xf32>
        %swap3A_509 = arith.constant 0 : i32
        %swap3A_510 = arith.constant 0 : i32
        %swap3A_511 = tpu.memref_slice %arg7[%scan3A_280, %swap3A_509, %swap3A_510] : memref<2x128x128xf32, #tpu.memory_space<vmem>> -> memref<1x128x128xf32, #tpu.memory_space<vmem>>
        %swap3A_512 = tpu.memref_squeeze %swap3A_511 : memref<1x128x128xf32, #tpu.memory_space<vmem>> -> memref<128x128xf32, #tpu.memory_space<vmem>>
        %swap3A_513 = arith.index_cast %scan3A_357 : i32 to index
        %swap3A_514 = arith.constant 96 : index
        %swap3A_515 = tpu.vector_load %swap3A_512[%swap3A_513, %swap3A_514] {strides = array<i32>} : memref<128x128xf32, #tpu.memory_space<vmem>>, vector<1x16xf32>,
        %swap3A_516 = vector.shape_cast %swap3A_515 : vector<1x16xf32> to vector<16xf32>
        %swap3A_517 = vector.shape_cast %mul3A_508 : vector<16xf32> to vector<1x16xf32>
        tpu.vector_store %swap3A_512[%swap3A_513, %swap3A_514], %swap3A_517 {strides = array<i32>} : memref<128x128xf32, #tpu.memory_space<vmem>>, vector<1x16xf32>,
        %get3A_518 = arith.constant 0 : i32
        %get3A_519 = arith.constant 0 : i32
        %get3A_520 = tpu.memref_slice %arg6[%scan3A_279, %get3A_518, %get3A_519] : memref<2x256x128xf32, #tpu.memory_space<vmem>> -> memref<1x256x128xf32, #tpu.memory_space<vmem>>
        %get3A_521 = tpu.memref_squeeze %get3A_520 : memref<1x256x128xf32, #tpu.memory_space<vmem>> -> memref<256x128xf32, #tpu.memory_space<vmem>>
        %get3A_522 = arith.constant 0 : i32
        %get3A_523 = arith.constant 0 : i32
        %get3A_524 = tpu.memref_slice %get3A_521[%get3A_522, %get3A_523] : memref<256x128xf32, #tpu.memory_space<vmem>> -> memref<128x128xf32, #tpu.memory_space<vmem>>
        %get3A_525 = arith.index_cast %scan3A_357 : i32 to index
        %get3A_526 = arith.constant 112 : index
        %get3A_527 = tpu.vector_load %get3A_524[%get3A_525, %get3A_526] {strides = array<i32>} : memref<128x128xf32, #tpu.memory_space<vmem>>, vector<1x16xf32>,
        %get3A_528 = vector.shape_cast %get3A_527 : vector<1x16xf32> to vector<16xf32>
        %mul3A_529 = arith.constant 11.3137083 : f32
        %mul3A_530 = vector.broadcast %mul3A_529 : f32 to vector<16xf32>
        %mul3A_531 = arith.mulf %get3A_528, %mul3A_530 : vector<16xf32>
        %swap3A_532 = arith.constant 0 : i32
        %swap3A_533 = arith.constant 0 : i32
        %swap3A_534 = tpu.memref_slice %arg7[%scan3A_280, %swap3A_532, %swap3A_533] : memref<2x128x128xf32, #tpu.memory_space<vmem>> -> memref<1x128x128xf32, #tpu.memory_space<vmem>>
        %swap3A_535 = tpu.memref_squeeze %swap3A_534 : memref<1x128x128xf32, #tpu.memory_space<vmem>> -> memref<128x128xf32, #tpu.memory_space<vmem>>
        %swap3A_536 = arith.index_cast %scan3A_357 : i32 to index
        %swap3A_537 = arith.constant 112 : index
        %swap3A_538 = tpu.vector_load %swap3A_535[%swap3A_536, %swap3A_537] {strides = array<i32>} : memref<128x128xf32, #tpu.memory_space<vmem>>, vector<1x16xf32>,
        %swap3A_539 = vector.shape_cast %swap3A_538 : vector<1x16xf32> to vector<16xf32>
        %swap3A_540 = vector.shape_cast %mul3A_531 : vector<16xf32> to vector<1x16xf32>
        tpu.vector_store %swap3A_535[%swap3A_536, %swap3A_537], %swap3A_540 {strides = array<i32>} : memref<128x128xf32, #tpu.memory_space<vmem>>, vector<1x16xf32>,
        %scan3A_541 = arith.constant 0 : i32
        scf.yield %scan3A_541 : i32
      }
      %scan3A_287 = arith.constant 128 : i32
      %mul3A_288 = arith.constant 256 : i32
      %mul3A_289 = arith.muli %add3A_247, %mul3A_288 : i32
      %add3A_290 = arith.addi %mul3A_2, %mul3A_289 : i32
      %add3A_291 = arith.constant 0 : i32
      %add3A_292 = arith.addi %add3A_290, %add3A_291 : i32
      %dma_start3A_293 = arith.constant 0 : i32
      %dma_start3A_294 = arith.constant 0 : i32
      %dma_start3A_295 = arith.constant 0 : i32
      %dma_start3A_296 = tpu.memref_slice %arg7[%dma_start3A_293, %dma_start3A_294, %dma_start3A_295] : memref<2x128x128xf32, #tpu.memory_space<vmem>> -> memref<1x128x128xf32, #tpu.memory_space<vmem>>
      %dma_start3A_297 = tpu.memref_squeeze %dma_start3A_296 : memref<1x128x128xf32, #tpu.memory_space<vmem>> -> memref<128x128xf32, #tpu.memory_space<vmem>>
      %dma_start3A_298 = arith.constant 0 : i32
      %dma_start3A_299 = tpu.memref_slice %arg4[%add3A_292, %dma_start3A_298] : memref<204800x128xf32, #tpu.memory_space<hbm>> -> memref<128x128xf32, #tpu.memory_space<hbm>>
      %dma_start3A_300 = arith.constant 0 : i32
      %dma_start3A_301 = tpu.memref_slice %arg4[%add3A_292, %dma_start3A_300] : memref<204800x128xf32, #tpu.memory_space<hbm>> -> memref<128x128xf32, #tpu.memory_space<hbm>>
      %dma_start3A_302 = arith.constant 0 : i32
      %dma_start3A_303 = arith.constant 0 : i32
      %dma_start3A_304 = tpu.memref_slice %arg7[%dma_start3A_293, %dma_start3A_302, %dma_start3A_303] : memref<2x128x128xf32, #tpu.memory_space<vmem>> -> memref<1x128x128xf32, #tpu.memory_space<vmem>>
      %dma_start3A_305 = tpu.memref_squeeze %dma_start3A_304 : memref<1x128x128xf32, #tpu.memory_space<vmem>> -> memref<128x128xf32, #tpu.memory_space<vmem>>
      tpu.enqueue_dma source(%dma_start3A_305 : memref<128x128xf32, #tpu.memory_space<vmem>>) target(%dma_start3A_301 : memref<128x128xf32, #tpu.memory_space<hbm>>) target_semaphore(%arg10 : memref<!tpu.dma_semaphore, #tpu.memory_space<semaphore_mem>>)
      %sub3A_306 = arith.constant 1 : i32
      %sub3A_307 = arith.subi %add3A_247, %sub3A_306 : i32
      %mul3A_308 = arith.constant 256 : i32
      %mul3A_309 = arith.muli %sub3A_307, %mul3A_308 : i32
      %add3A_310 = arith.addi %mul3A_2, %mul3A_309 : i32
      %add3A_311 = arith.constant 128 : i32
      %add3A_312 = arith.addi %add3A_310, %add3A_311 : i32
      %dma_wait3A_313 = arith.constant 1 : i32
      %dma_wait3A_314 = arith.constant 0 : i32
      %dma_wait3A_315 = arith.constant 0 : i32
      %dma_wait3A_316 = tpu.memref_slice %arg7[%dma_wait3A_313, %dma_wait3A_314, %dma_wait3A_315] : memref<2x128x128xf32, #tpu.memory_space<vmem>> -> memref<1x128x128xf32, #tpu.memory_space<vmem>>
      %dma_wait3A_317 = tpu.memref_squeeze %dma_wait3A_316 : memref<1x128x128xf32, #tpu.memory_space<vmem>> -> memref<128x128xf32, #tpu.memory_space<vmem>>
      %dma_wait3A_318 = arith.constant 0 : i32
      %dma_wait3A_319 = tpu.memref_slice %arg4[%add3A_312, %dma_wait3A_318] : memref<204800x128xf32, #tpu.memory_space<hbm>> -> memref<128x128xf32, #tpu.memory_space<hbm>>
      %dma_wait3A_320 = arith.constant 0 : i32
      %dma_wait3A_321 = tpu.memref_slice %arg4[%add3A_312, %dma_wait3A_320] : memref<204800x128xf32, #tpu.memory_space<hbm>> -> memref<128x128xf32, #tpu.memory_space<hbm>>
      %dma_wait3A_322 = arith.constant 0 : i32
      %dma_wait3A_323 = arith.constant 0 : i32
      %dma_wait3A_324 = tpu.memref_slice %arg7[%dma_wait3A_313, %dma_wait3A_322, %dma_wait3A_323] : memref<2x128x128xf32, #tpu.memory_space<vmem>> -> memref<1x128x128xf32, #tpu.memory_space<vmem>>
      %dma_wait3A_325 = tpu.memref_squeeze %dma_wait3A_324 : memref<1x128x128xf32, #tpu.memory_space<vmem>> -> memref<128x128xf32, #tpu.memory_space<vmem>>
      tpu.wait_dma2 semaphore(%arg11 : memref<!tpu.dma_semaphore, #tpu.memory_space<semaphore_mem>>) src(%dma_wait3A_325 : memref<128x128xf32, #tpu.memory_space<vmem>>) dst(%dma_wait3A_321 : memref<128x128xf32, #tpu.memory_space<hbm>>)
      %scan3A_326 = arith.constant 1 : i32
      %scan3A_327 = arith.constant 1 : i32
      %scan3A_328 = arith.constant 0 : i32
      %scan3A_329 = arith.constant 0 : i32
      %scan3A_330 = arith.constant 128 : i32
      %scan3A_331 = arith.addi %scan3A_329, %scan3A_330 : i32
      %scan3A_332 = arith.constant 1 : i32
      %scan3A_333 = scf.for %scan3A_357 = %scan3A_329 to %scan3A_331 step %scan3A_332 iter_args(%scan3A_358 = %scan3A_328) -> (i32)  : i32 {
        %get3A = arith.constant 0 : i32
        %get3A_359 = arith.constant 0 : i32
        %get3A_360 = tpu.memref_slice %arg6[%scan3A_326, %get3A, %get3A_359] : memref<2x256x128xf32, #tpu.memory_space<vmem>> -> memref<1x256x128xf32, #tpu.memory_space<vmem>>
        %get3A_361 = tpu.memref_squeeze %get3A_360 : memref<1x256x128xf32, #tpu.memory_space<vmem>> -> memref<256x128xf32, #tpu.memory_space<vmem>>
        %get3A_362 = arith.constant 128 : i32
        %get3A_363 = arith.constant 0 : i32
        %get3A_364 = tpu.memref_slice %get3A_361[%get3A_362, %get3A_363] : memref<256x128xf32, #tpu.memory_space<vmem>> -> memref<128x128xf32, #tpu.memory_space<vmem>>
        %get3A_365 = arith.index_cast %scan3A_357 : i32 to index
        %get3A_366 = arith.constant 0 : index
        %get3A_367 = tpu.vector_load %get3A_364[%get3A_365, %get3A_366] {strides = array<i32>} : memref<128x128xf32, #tpu.memory_space<vmem>>, vector<1x16xf32>,
        %get3A_368 = vector.shape_cast %get3A_367 : vector<1x16xf32> to vector<16xf32>
        %mul3A_369 = arith.constant 11.3137083 : f32
        %mul3A_370 = vector.broadcast %mul3A_369 : f32 to vector<16xf32>
        %mul3A_371 = arith.mulf %get3A_368, %mul3A_370 : vector<16xf32>
        %swap3A = arith.constant 0 : i32
        %swap3A_372 = arith.constant 0 : i32
        %swap3A_373 = tpu.memref_slice %arg7[%scan3A_327, %swap3A, %swap3A_372] : memref<2x128x128xf32, #tpu.memory_space<vmem>> -> memref<1x128x128xf32, #tpu.memory_space<vmem>>
        %swap3A_374 = tpu.memref_squeeze %swap3A_373 : memref<1x128x128xf32, #tpu.memory_space<vmem>> -> memref<128x128xf32, #tpu.memory_space<vmem>>
        %swap3A_375 = arith.index_cast %scan3A_357 : i32 to index
        %swap3A_376 = arith.constant 0 : index
        %swap3A_377 = tpu.vector_load %swap3A_374[%swap3A_375, %swap3A_376] {strides = array<i32>} : memref<128x128xf32, #tpu.memory_space<vmem>>, vector<1x16xf32>,
        %swap3A_378 = vector.shape_cast %swap3A_377 : vector<1x16xf32> to vector<16xf32>
        %swap3A_379 = vector.shape_cast %mul3A_371 : vector<16xf32> to vector<1x16xf32>
        tpu.vector_store %swap3A_374[%swap3A_375, %swap3A_376], %swap3A_379 {strides = array<i32>} : memref<128x128xf32, #tpu.memory_space<vmem>>, vector<1x16xf32>,
        %get3A_380 = arith.constant 0 : i32
        %get3A_381 = arith.constant 0 : i32
        %get3A_382 = tpu.memref_slice %arg6[%scan3A_326, %get3A_380, %get3A_381] : memref<2x256x128xf32, #tpu.memory_space<vmem>> -> memref<1x256x128xf32, #tpu.memory_space<vmem>>
        %get3A_383 = tpu.memref_squeeze %get3A_382 : memref<1x256x128xf32, #tpu.memory_space<vmem>> -> memref<256x128xf32, #tpu.memory_space<vmem>>
        %get3A_384 = arith.constant 128 : i32
        %get3A_385 = arith.constant 0 : i32
        %get3A_386 = tpu.memref_slice %get3A_383[%get3A_384, %get3A_385] : memref<256x128xf32, #tpu.memory_space<vmem>> -> memref<128x128xf32, #tpu.memory_space<vmem>>
        %get3A_387 = arith.index_cast %scan3A_357 : i32 to index
        %get3A_388 = arith.constant 16 : index
        %get3A_389 = tpu.vector_load %get3A_386[%get3A_387, %get3A_388] {strides = array<i32>} : memref<128x128xf32, #tpu.memory_space<vmem>>, vector<1x16xf32>,
        %get3A_390 = vector.shape_cast %get3A_389 : vector<1x16xf32> to vector<16xf32>
        %mul3A_391 = arith.constant 11.3137083 : f32
        %mul3A_392 = vector.broadcast %mul3A_391 : f32 to vector<16xf32>
        %mul3A_393 = arith.mulf %get3A_390, %mul3A_392 : vector<16xf32>
        %swap3A_394 = arith.constant 0 : i32
        %swap3A_395 = arith.constant 0 : i32
        %swap3A_396 = tpu.memref_slice %arg7[%scan3A_327, %swap3A_394, %swap3A_395] : memref<2x128x128xf32, #tpu.memory_space<vmem>> -> memref<1x128x128xf32, #tpu.memory_space<vmem>>
        %swap3A_397 = tpu.memref_squeeze %swap3A_396 : memref<1x128x128xf32, #tpu.memory_space<vmem>> -> memref<128x128xf32, #tpu.memory_space<vmem>>
        %swap3A_398 = arith.index_cast %scan3A_357 : i32 to index
        %swap3A_399 = arith.constant 16 : index
        %swap3A_400 = tpu.vector_load %swap3A_397[%swap3A_398, %swap3A_399] {strides = array<i32>} : memref<128x128xf32, #tpu.memory_space<vmem>>, vector<1x16xf32>,
        %swap3A_401 = vector.shape_cast %swap3A_400 : vector<1x16xf32> to vector<16xf32>
        %swap3A_402 = vector.shape_cast %mul3A_393 : vector<16xf32> to vector<1x16xf32>
        tpu.vector_store %swap3A_397[%swap3A_398, %swap3A_399], %swap3A_402 {strides = array<i32>} : memref<128x128xf32, #tpu.memory_space<vmem>>, vector<1x16xf32>,
        %get3A_403 = arith.constant 0 : i32
        %get3A_404 = arith.constant 0 : i32
        %get3A_405 = tpu.memref_slice %arg6[%scan3A_326, %get3A_403, %get3A_404] : memref<2x256x128xf32, #tpu.memory_space<vmem>> -> memref<1x256x128xf32, #tpu.memory_space<vmem>>
        %get3A_406 = tpu.memref_squeeze %get3A_405 : memref<1x256x128xf32, #tpu.memory_space<vmem>> -> memref<256x128xf32, #tpu.memory_space<vmem>>
        %get3A_407 = arith.constant 128 : i32
        %get3A_408 = arith.constant 0 : i32
        %get3A_409 = tpu.memref_slice %get3A_406[%get3A_407, %get3A_408] : memref<256x128xf32, #tpu.memory_space<vmem>> -> memref<128x128xf32, #tpu.memory_space<vmem>>
        %get3A_410 = arith.index_cast %scan3A_357 : i32 to index
        %get3A_411 = arith.constant 32 : index
        %get3A_412 = tpu.vector_load %get3A_409[%get3A_410, %get3A_411] {strides = array<i32>} : memref<128x128xf32, #tpu.memory_space<vmem>>, vector<1x16xf32>,
        %get3A_413 = vector.shape_cast %get3A_412 : vector<1x16xf32> to vector<16xf32>
        %mul3A_414 = arith.constant 11.3137083 : f32
        %mul3A_415 = vector.broadcast %mul3A_414 : f32 to vector<16xf32>
        %mul3A_416 = arith.mulf %get3A_413, %mul3A_415 : vector<16xf32>
        %swap3A_417 = arith.constant 0 : i32
        %swap3A_418 = arith.constant 0 : i32
        %swap3A_419 = tpu.memref_slice %arg7[%scan3A_327, %swap3A_417, %swap3A_418] : memref<2x128x128xf32, #tpu.memory_space<vmem>> -> memref<1x128x128xf32, #tpu.memory_space<vmem>>
        %swap3A_420 = tpu.memref_squeeze %swap3A_419 : memref<1x128x128xf32, #tpu.memory_space<vmem>> -> memref<128x128xf32, #tpu.memory_space<vmem>>
        %swap3A_421 = arith.index_cast %scan3A_357 : i32 to index
        %swap3A_422 = arith.constant 32 : index
        %swap3A_423 = tpu.vector_load %swap3A_420[%swap3A_421, %swap3A_422] {strides = array<i32>} : memref<128x128xf32, #tpu.memory_space<vmem>>, vector<1x16xf32>,
        %swap3A_424 = vector.shape_cast %swap3A_423 : vector<1x16xf32> to vector<16xf32>
        %swap3A_425 = vector.shape_cast %mul3A_416 : vector<16xf32> to vector<1x16xf32>
        tpu.vector_store %swap3A_420[%swap3A_421, %swap3A_422], %swap3A_425 {strides = array<i32>} : memref<128x128xf32, #tpu.memory_space<vmem>>, vector<1x16xf32>,
        %get3A_426 = arith.constant 0 : i32
        %get3A_427 = arith.constant 0 : i32
        %get3A_428 = tpu.memref_slice %arg6[%scan3A_326, %get3A_426, %get3A_427] : memref<2x256x128xf32, #tpu.memory_space<vmem>> -> memref<1x256x128xf32, #tpu.memory_space<vmem>>
        %get3A_429 = tpu.memref_squeeze %get3A_428 : memref<1x256x128xf32, #tpu.memory_space<vmem>> -> memref<256x128xf32, #tpu.memory_space<vmem>>
        %get3A_430 = arith.constant 128 : i32
        %get3A_431 = arith.constant 0 : i32
        %get3A_432 = tpu.memref_slice %get3A_429[%get3A_430, %get3A_431] : memref<256x128xf32, #tpu.memory_space<vmem>> -> memref<128x128xf32, #tpu.memory_space<vmem>>
        %get3A_433 = arith.index_cast %scan3A_357 : i32 to index
        %get3A_434 = arith.constant 48 : index
        %get3A_435 = tpu.vector_load %get3A_432[%get3A_433, %get3A_434] {strides = array<i32>} : memref<128x128xf32, #tpu.memory_space<vmem>>, vector<1x16xf32>,
        %get3A_436 = vector.shape_cast %get3A_435 : vector<1x16xf32> to vector<16xf32>
        %mul3A_437 = arith.constant 11.3137083 : f32
        %mul3A_438 = vector.broadcast %mul3A_437 : f32 to vector<16xf32>
        %mul3A_439 = arith.mulf %get3A_436, %mul3A_438 : vector<16xf32>
        %swap3A_440 = arith.constant 0 : i32
        %swap3A_441 = arith.constant 0 : i32
        %swap3A_442 = tpu.memref_slice %arg7[%scan3A_327, %swap3A_440, %swap3A_441] : memref<2x128x128xf32, #tpu.memory_space<vmem>> -> memref<1x128x128xf32, #tpu.memory_space<vmem>>
        %swap3A_443 = tpu.memref_squeeze %swap3A_442 : memref<1x128x128xf32, #tpu.memory_space<vmem>> -> memref<128x128xf32, #tpu.memory_space<vmem>>
        %swap3A_444 = arith.index_cast %scan3A_357 : i32 to index
        %swap3A_445 = arith.constant 48 : index
        %swap3A_446 = tpu.vector_load %swap3A_443[%swap3A_444, %swap3A_445] {strides = array<i32>} : memref<128x128xf32, #tpu.memory_space<vmem>>, vector<1x16xf32>,
        %swap3A_447 = vector.shape_cast %swap3A_446 : vector<1x16xf32> to vector<16xf32>
        %swap3A_448 = vector.shape_cast %mul3A_439 : vector<16xf32> to vector<1x16xf32>
        tpu.vector_store %swap3A_443[%swap3A_444, %swap3A_445], %swap3A_448 {strides = array<i32>} : memref<128x128xf32, #tpu.memory_space<vmem>>, vector<1x16xf32>,
        %get3A_449 = arith.constant 0 : i32
        %get3A_450 = arith.constant 0 : i32
        %get3A_451 = tpu.memref_slice %arg6[%scan3A_326, %get3A_449, %get3A_450] : memref<2x256x128xf32, #tpu.memory_space<vmem>> -> memref<1x256x128xf32, #tpu.memory_space<vmem>>
        %get3A_452 = tpu.memref_squeeze %get3A_451 : memref<1x256x128xf32, #tpu.memory_space<vmem>> -> memref<256x128xf32, #tpu.memory_space<vmem>>
        %get3A_453 = arith.constant 128 : i32
        %get3A_454 = arith.constant 0 : i32
        %get3A_455 = tpu.memref_slice %get3A_452[%get3A_453, %get3A_454] : memref<256x128xf32, #tpu.memory_space<vmem>> -> memref<128x128xf32, #tpu.memory_space<vmem>>
        %get3A_456 = arith.index_cast %scan3A_357 : i32 to index
        %get3A_457 = arith.constant 64 : index
        %get3A_458 = tpu.vector_load %get3A_455[%get3A_456, %get3A_457] {strides = array<i32>} : memref<128x128xf32, #tpu.memory_space<vmem>>, vector<1x16xf32>,
        %get3A_459 = vector.shape_cast %get3A_458 : vector<1x16xf32> to vector<16xf32>
        %mul3A_460 = arith.constant 11.3137083 : f32
        %mul3A_461 = vector.broadcast %mul3A_460 : f32 to vector<16xf32>
        %mul3A_462 = arith.mulf %get3A_459, %mul3A_461 : vector<16xf32>
        %swap3A_463 = arith.constant 0 : i32
        %swap3A_464 = arith.constant 0 : i32
        %swap3A_465 = tpu.memref_slice %arg7[%scan3A_327, %swap3A_463, %swap3A_464] : memref<2x128x128xf32, #tpu.memory_space<vmem>> -> memref<1x128x128xf32, #tpu.memory_space<vmem>>
        %swap3A_466 = tpu.memref_squeeze %swap3A_465 : memref<1x128x128xf32, #tpu.memory_space<vmem>> -> memref<128x128xf32, #tpu.memory_space<vmem>>
        %swap3A_467 = arith.index_cast %scan3A_357 : i32 to index
        %swap3A_468 = arith.constant 64 : index
        %swap3A_469 = tpu.vector_load %swap3A_466[%swap3A_467, %swap3A_468] {strides = array<i32>} : memref<128x128xf32, #tpu.memory_space<vmem>>, vector<1x16xf32>,
        %swap3A_470 = vector.shape_cast %swap3A_469 : vector<1x16xf32> to vector<16xf32>
        %swap3A_471 = vector.shape_cast %mul3A_462 : vector<16xf32> to vector<1x16xf32>
        tpu.vector_store %swap3A_466[%swap3A_467, %swap3A_468], %swap3A_471 {strides = array<i32>} : memref<128x128xf32, #tpu.memory_space<vmem>>, vector<1x16xf32>,
        %get3A_472 = arith.constant 0 : i32
        %get3A_473 = arith.constant 0 : i32
        %get3A_474 = tpu.memref_slice %arg6[%scan3A_326, %get3A_472, %get3A_473] : memref<2x256x128xf32, #tpu.memory_space<vmem>> -> memref<1x256x128xf32, #tpu.memory_space<vmem>>
        %get3A_475 = tpu.memref_squeeze %get3A_474 : memref<1x256x128xf32, #tpu.memory_space<vmem>> -> memref<256x128xf32, #tpu.memory_space<vmem>>
        %get3A_476 = arith.constant 128 : i32
        %get3A_477 = arith.constant 0 : i32
        %get3A_478 = tpu.memref_slice %get3A_475[%get3A_476, %get3A_477] : memref<256x128xf32, #tpu.memory_space<vmem>> -> memref<128x128xf32, #tpu.memory_space<vmem>>
        %get3A_479 = arith.index_cast %scan3A_357 : i32 to index
        %get3A_480 = arith.constant 80 : index
        %get3A_481 = tpu.vector_load %get3A_478[%get3A_479, %get3A_480] {strides = array<i32>} : memref<128x128xf32, #tpu.memory_space<vmem>>, vector<1x16xf32>,
        %get3A_482 = vector.shape_cast %get3A_481 : vector<1x16xf32> to vector<16xf32>
        %mul3A_483 = arith.constant 11.3137083 : f32
        %mul3A_484 = vector.broadcast %mul3A_483 : f32 to vector<16xf32>
        %mul3A_485 = arith.mulf %get3A_482, %mul3A_484 : vector<16xf32>
        %swap3A_486 = arith.constant 0 : i32
        %swap3A_487 = arith.constant 0 : i32
        %swap3A_488 = tpu.memref_slice %arg7[%scan3A_327, %swap3A_486, %swap3A_487] : memref<2x128x128xf32, #tpu.memory_space<vmem>> -> memref<1x128x128xf32, #tpu.memory_space<vmem>>
        %swap3A_489 = tpu.memref_squeeze %swap3A_488 : memref<1x128x128xf32, #tpu.memory_space<vmem>> -> memref<128x128xf32, #tpu.memory_space<vmem>>
        %swap3A_490 = arith.index_cast %scan3A_357 : i32 to index
        %swap3A_491 = arith.constant 80 : index
        %swap3A_492 = tpu.vector_load %swap3A_489[%swap3A_490, %swap3A_491] {strides = array<i32>} : memref<128x128xf32, #tpu.memory_space<vmem>>, vector<1x16xf32>,
        %swap3A_493 = vector.shape_cast %swap3A_492 : vector<1x16xf32> to vector<16xf32>
        %swap3A_494 = vector.shape_cast %mul3A_485 : vector<16xf32> to vector<1x16xf32>
        tpu.vector_store %swap3A_489[%swap3A_490, %swap3A_491], %swap3A_494 {strides = array<i32>} : memref<128x128xf32, #tpu.memory_space<vmem>>, vector<1x16xf32>,
        %get3A_495 = arith.constant 0 : i32
        %get3A_496 = arith.constant 0 : i32
        %get3A_497 = tpu.memref_slice %arg6[%scan3A_326, %get3A_495, %get3A_496] : memref<2x256x128xf32, #tpu.memory_space<vmem>> -> memref<1x256x128xf32, #tpu.memory_space<vmem>>
        %get3A_498 = tpu.memref_squeeze %get3A_497 : memref<1x256x128xf32, #tpu.memory_space<vmem>> -> memref<256x128xf32, #tpu.memory_space<vmem>>
        %get3A_499 = arith.constant 128 : i32
        %get3A_500 = arith.constant 0 : i32
        %get3A_501 = tpu.memref_slice %get3A_498[%get3A_499, %get3A_500] : memref<256x128xf32, #tpu.memory_space<vmem>> -> memref<128x128xf32, #tpu.memory_space<vmem>>
        %get3A_502 = arith.index_cast %scan3A_357 : i32 to index
        %get3A_503 = arith.constant 96 : index
        %get3A_504 = tpu.vector_load %get3A_501[%get3A_502, %get3A_503] {strides = array<i32>} : memref<128x128xf32, #tpu.memory_space<vmem>>, vector<1x16xf32>,
        %get3A_505 = vector.shape_cast %get3A_504 : vector<1x16xf32> to vector<16xf32>
        %mul3A_506 = arith.constant 11.3137083 : f32
        %mul3A_507 = vector.broadcast %mul3A_506 : f32 to vector<16xf32>
        %mul3A_508 = arith.mulf %get3A_505, %mul3A_507 : vector<16xf32>
        %swap3A_509 = arith.constant 0 : i32
        %swap3A_510 = arith.constant 0 : i32
        %swap3A_511 = tpu.memref_slice %arg7[%scan3A_327, %swap3A_509, %swap3A_510] : memref<2x128x128xf32, #tpu.memory_space<vmem>> -> memref<1x128x128xf32, #tpu.memory_space<vmem>>
        %swap3A_512 = tpu.memref_squeeze %swap3A_511 : memref<1x128x128xf32, #tpu.memory_space<vmem>> -> memref<128x128xf32, #tpu.memory_space<vmem>>
        %swap3A_513 = arith.index_cast %scan3A_357 : i32 to index
        %swap3A_514 = arith.constant 96 : index
        %swap3A_515 = tpu.vector_load %swap3A_512[%swap3A_513, %swap3A_514] {strides = array<i32>} : memref<128x128xf32, #tpu.memory_space<vmem>>, vector<1x16xf32>,
        %swap3A_516 = vector.shape_cast %swap3A_515 : vector<1x16xf32> to vector<16xf32>
        %swap3A_517 = vector.shape_cast %mul3A_508 : vector<16xf32> to vector<1x16xf32>
        tpu.vector_store %swap3A_512[%swap3A_513, %swap3A_514], %swap3A_517 {strides = array<i32>} : memref<128x128xf32, #tpu.memory_space<vmem>>, vector<1x16xf32>,
        %get3A_518 = arith.constant 0 : i32
        %get3A_519 = arith.constant 0 : i32
        %get3A_520 = tpu.memref_slice %arg6[%scan3A_326, %get3A_518, %get3A_519] : memref<2x256x128xf32, #tpu.memory_space<vmem>> -> memref<1x256x128xf32, #tpu.memory_space<vmem>>
        %get3A_521 = tpu.memref_squeeze %get3A_520 : memref<1x256x128xf32, #tpu.memory_space<vmem>> -> memref<256x128xf32, #tpu.memory_space<vmem>>
        %get3A_522 = arith.constant 128 : i32
        %get3A_523 = arith.constant 0 : i32
        %get3A_524 = tpu.memref_slice %get3A_521[%get3A_522, %get3A_523] : memref<256x128xf32, #tpu.memory_space<vmem>> -> memref<128x128xf32, #tpu.memory_space<vmem>>
        %get3A_525 = arith.index_cast %scan3A_357 : i32 to index
        %get3A_526 = arith.constant 112 : index
        %get3A_527 = tpu.vector_load %get3A_524[%get3A_525, %get3A_526] {strides = array<i32>} : memref<128x128xf32, #tpu.memory_space<vmem>>, vector<1x16xf32>,
        %get3A_528 = vector.shape_cast %get3A_527 : vector<1x16xf32> to vector<16xf32>
        %mul3A_529 = arith.constant 11.3137083 : f32
        %mul3A_530 = vector.broadcast %mul3A_529 : f32 to vector<16xf32>
        %mul3A_531 = arith.mulf %get3A_528, %mul3A_530 : vector<16xf32>
        %swap3A_532 = arith.constant 0 : i32
        %swap3A_533 = arith.constant 0 : i32
        %swap3A_534 = tpu.memref_slice %arg7[%scan3A_327, %swap3A_532, %swap3A_533] : memref<2x128x128xf32, #tpu.memory_space<vmem>> -> memref<1x128x128xf32, #tpu.memory_space<vmem>>
        %swap3A_535 = tpu.memref_squeeze %swap3A_534 : memref<1x128x128xf32, #tpu.memory_space<vmem>> -> memref<128x128xf32, #tpu.memory_space<vmem>>
        %swap3A_536 = arith.index_cast %scan3A_357 : i32 to index
        %swap3A_537 = arith.constant 112 : index
        %swap3A_538 = tpu.vector_load %swap3A_535[%swap3A_536, %swap3A_537] {strides = array<i32>} : memref<128x128xf32, #tpu.memory_space<vmem>>, vector<1x16xf32>,
        %swap3A_539 = vector.shape_cast %swap3A_538 : vector<1x16xf32> to vector<16xf32>
        %swap3A_540 = vector.shape_cast %mul3A_531 : vector<16xf32> to vector<1x16xf32>
        tpu.vector_store %swap3A_535[%swap3A_536, %swap3A_537], %swap3A_540 {strides = array<i32>} : memref<128x128xf32, #tpu.memory_space<vmem>>, vector<1x16xf32>,
        %scan3A_541 = arith.constant 0 : i32
        scf.yield %scan3A_541 : i32
      }
      %scan3A_334 = arith.constant 128 : i32
      %mul3A_335 = arith.constant 256 : i32
      %mul3A_336 = arith.muli %add3A_247, %mul3A_335 : i32
      %add3A_337 = arith.addi %mul3A_2, %mul3A_336 : i32
      %add3A_338 = arith.constant 128 : i32
      %add3A_339 = arith.addi %add3A_337, %add3A_338 : i32
      %dma_start3A_340 = arith.constant 1 : i32
      %dma_start3A_341 = arith.constant 0 : i32
      %dma_start3A_342 = arith.constant 0 : i32
      %dma_start3A_343 = tpu.memref_slice %arg7[%dma_start3A_340, %dma_start3A_341, %dma_start3A_342] : memref<2x128x128xf32, #tpu.memory_space<vmem>> -> memref<1x128x128xf32, #tpu.memory_space<vmem>>
      %dma_start3A_344 = tpu.memref_squeeze %dma_start3A_343 : memref<1x128x128xf32, #tpu.memory_space<vmem>> -> memref<128x128xf32, #tpu.memory_space<vmem>>
      %dma_start3A_345 = arith.constant 0 : i32
      %dma_start3A_346 = tpu.memref_slice %arg4[%add3A_339, %dma_start3A_345] : memref<204800x128xf32, #tpu.memory_space<hbm>> -> memref<128x128xf32, #tpu.memory_space<hbm>>
      %dma_start3A_347 = arith.constant 0 : i32
      %dma_start3A_348 = tpu.memref_slice %arg4[%add3A_339, %dma_start3A_347] : memref<204800x128xf32, #tpu.memory_space<hbm>> -> memref<128x128xf32, #tpu.memory_space<hbm>>
      %dma_start3A_349 = arith.constant 0 : i32
      %dma_start3A_350 = arith.constant 0 : i32
      %dma_start3A_351 = tpu.memref_slice %arg7[%dma_start3A_340, %dma_start3A_349, %dma_start3A_350] : memref<2x128x128xf32, #tpu.memory_space<vmem>> -> memref<1x128x128xf32, #tpu.memory_space<vmem>>
      %dma_start3A_352 = tpu.memref_squeeze %dma_start3A_351 : memref<1x128x128xf32, #tpu.memory_space<vmem>> -> memref<128x128xf32, #tpu.memory_space<vmem>>
      tpu.enqueue_dma source(%dma_start3A_352 : memref<128x128xf32, #tpu.memory_space<vmem>>) target(%dma_start3A_348 : memref<128x128xf32, #tpu.memory_space<hbm>>) target_semaphore(%arg11 : memref<!tpu.dma_semaphore, #tpu.memory_space<semaphore_mem>>)
      %convert_element_type3A_353 = arith.extui %le3A_248 : i1 to i32
      %cond3A_354 = arith.constant 0 : i32
      %cond3A_355 = arith.cmpi ne, %convert_element_type3A_353, %cond3A_354 : i32
      scf.if %cond3A_355 {
        %add3A_357 = arith.constant 2 : i32
        %add3A_358 = arith.addi %add3A_247, %add3A_357 : i32
        %mul3A_359 = arith.constant 256 : i32
        %mul3A_360 = arith.muli %add3A_358, %mul3A_359 : i32
        %dma_start3A_361 = arith.constant 1 : i32
        %dma_start3A_362 = arith.constant 0 : i32
        %dma_start3A_363 = arith.constant 0 : i32
        %dma_start3A_364 = tpu.memref_slice %arg6[%dma_start3A_361, %dma_start3A_362, %dma_start3A_363] : memref<2x256x128xf32, #tpu.memory_space<vmem>> -> memref<1x256x128xf32, #tpu.memory_space<vmem>>
        %dma_start3A_365 = tpu.memref_squeeze %dma_start3A_364 : memref<1x256x128xf32, #tpu.memory_space<vmem>> -> memref<256x128xf32, #tpu.memory_space<vmem>>
        %dma_start3A_366 = tpu.memref_slice %arg5[%mul3A_360] : memref<6400xi32, #tpu.memory_space<vmem>> -> memref<256xi32, #tpu.memory_space<vmem>>
        %dma_start3A_367 = arith.constant 0 : i32
        %dma_start3A_368 = arith.constant 0 : i32
        %dma_start3A_369 = tpu.memref_slice %arg2[%dma_start3A_367, %dma_start3A_368] : memref<100000x128xf32, #tpu.memory_space<hbm>> -> memref<100000x128xf32, #tpu.memory_space<hbm>>
        tpu.enqueue_indirect_dma source(%dma_start3A_369 : memref<100000x128xf32, #tpu.memory_space<hbm>>) target(%dma_start3A_365 : memref<256x128xf32, #tpu.memory_space<vmem>>) offsets(%dma_start3A_366 : memref<256xi32, #tpu.memory_space<vmem>>) semaphore(%arg9 : memref<!tpu.dma_semaphore, #tpu.memory_space<semaphore_mem>>)
      } else {
      }
      %scan3A_356 = arith.constant 0 : i32
      scf.yield %scan3A_356 : i32
    }
    %scan3A_27 = arith.constant 12 : i32
    %dma_wait3A = arith.constant 0 : i32
    %dma_wait3A_28 = arith.constant 0 : i32
    %dma_wait3A_29 = arith.constant 0 : i32
    %dma_wait3A_30 = tpu.memref_slice %arg6[%dma_wait3A, %dma_wait3A_28, %dma_wait3A_29] : memref<2x256x128xf32, #tpu.memory_space<vmem>> -> memref<1x256x128xf32, #tpu.memory_space<vmem>>
    %dma_wait3A_31 = tpu.memref_squeeze %dma_wait3A_30 : memref<1x256x128xf32, #tpu.memory_space<vmem>> -> memref<256x128xf32, #tpu.memory_space<vmem>>
    %dma_wait3A_32 = arith.constant 6144 : i32
    %dma_wait3A_33 = tpu.memref_slice %arg5[%dma_wait3A_32] : memref<6400xi32, #tpu.memory_space<vmem>> -> memref<256xi32, #tpu.memory_space<vmem>>
    %dma_wait3A_34 = arith.constant 0 : i32
    %dma_wait3A_35 = arith.constant 0 : i32
    %dma_wait3A_36 = tpu.memref_slice %arg2[%dma_wait3A_34, %dma_wait3A_35] : memref<100000x128xf32, #tpu.memory_space<hbm>> -> memref<100000x128xf32, #tpu.memory_space<hbm>>
    tpu.wait_indirect_dma semaphore(%arg8 : memref<!tpu.dma_semaphore, #tpu.memory_space<semaphore_mem>>) src(%dma_wait3A_36 : memref<100000x128xf32, #tpu.memory_space<hbm>>) dst(%dma_wait3A_31 : memref<256x128xf32, #tpu.memory_space<vmem>>)
    %add3A_37 = arith.constant 5888 : i32
    %add3A_38 = arith.addi %mul3A_2, %add3A_37 : i32
    %add3A_39 = arith.constant 0 : i32
    %add3A_40 = arith.addi %add3A_38, %add3A_39 : i32
    %dma_wait3A_41 = arith.constant 0 : i32
    %dma_wait3A_42 = arith.constant 0 : i32
    %dma_wait3A_43 = arith.constant 0 : i32
    %dma_wait3A_44 = tpu.memref_slice %arg7[%dma_wait3A_41, %dma_wait3A_42, %dma_wait3A_43] : memref<2x128x128xf32, #tpu.memory_space<vmem>> -> memref<1x128x128xf32, #tpu.memory_space<vmem>>
    %dma_wait3A_45 = tpu.memref_squeeze %dma_wait3A_44 : memref<1x128x128xf32, #tpu.memory_space<vmem>> -> memref<128x128xf32, #tpu.memory_space<vmem>>
    %dma_wait3A_46 = arith.constant 0 : i32
    %dma_wait3A_47 = tpu.memref_slice %arg4[%add3A_40, %dma_wait3A_46] : memref<204800x128xf32, #tpu.memory_space<hbm>> -> memref<128x128xf32, #tpu.memory_space<hbm>>
    %dma_wait3A_48 = arith.constant 0 : i32
    %dma_wait3A_49 = tpu.memref_slice %arg4[%add3A_40, %dma_wait3A_48] : memref<204800x128xf32, #tpu.memory_space<hbm>> -> memref<128x128xf32, #tpu.memory_space<hbm>>
    %dma_wait3A_50 = arith.constant 0 : i32
    %dma_wait3A_51 = arith.constant 0 : i32
    %dma_wait3A_52 = tpu.memref_slice %arg7[%dma_wait3A_41, %dma_wait3A_50, %dma_wait3A_51] : memref<2x128x128xf32, #tpu.memory_space<vmem>> -> memref<1x128x128xf32, #tpu.memory_space<vmem>>
    %dma_wait3A_53 = tpu.memref_squeeze %dma_wait3A_52 : memref<1x128x128xf32, #tpu.memory_space<vmem>> -> memref<128x128xf32, #tpu.memory_space<vmem>>
    tpu.wait_dma2 semaphore(%arg10 : memref<!tpu.dma_semaphore, #tpu.memory_space<semaphore_mem>>) src(%dma_wait3A_53 : memref<128x128xf32, #tpu.memory_space<vmem>>) dst(%dma_wait3A_49 : memref<128x128xf32, #tpu.memory_space<hbm>>)
    %scan3A_54 = arith.constant 0 : i32
    %scan3A_55 = arith.constant 0 : i32
    %scan3A_56 = arith.constant 0 : i32
    %scan3A_57 = arith.constant 0 : i32
    %scan3A_58 = arith.constant 128 : i32
    %scan3A_59 = arith.addi %scan3A_57, %scan3A_58 : i32
    %scan3A_60 = arith.constant 1 : i32
    %scan3A_61 = scf.for %scan3A_157 = %scan3A_57 to %scan3A_59 step %scan3A_60 iter_args(%scan3A_158 = %scan3A_56) -> (i32)  : i32 {
      %get3A = arith.constant 0 : i32
      %get3A_159 = arith.constant 0 : i32
      %get3A_160 = tpu.memref_slice %arg6[%scan3A_54, %get3A, %get3A_159] : memref<2x256x128xf32, #tpu.memory_space<vmem>> -> memref<1x256x128xf32, #tpu.memory_space<vmem>>
      %get3A_161 = tpu.memref_squeeze %get3A_160 : memref<1x256x128xf32, #tpu.memory_space<vmem>> -> memref<256x128xf32, #tpu.memory_space<vmem>>
      %get3A_162 = arith.constant 0 : i32
      %get3A_163 = arith.constant 0 : i32
      %get3A_164 = tpu.memref_slice %get3A_161[%get3A_162, %get3A_163] : memref<256x128xf32, #tpu.memory_space<vmem>> -> memref<128x128xf32, #tpu.memory_space<vmem>>
      %get3A_165 = arith.index_cast %scan3A_157 : i32 to index
      %get3A_166 = arith.constant 0 : index
      %get3A_167 = tpu.vector_load %get3A_164[%get3A_165, %get3A_166] {strides = array<i32>} : memref<128x128xf32, #tpu.memory_space<vmem>>, vector<1x16xf32>,
      %get3A_168 = vector.shape_cast %get3A_167 : vector<1x16xf32> to vector<16xf32>
      %mul3A_169 = arith.constant 11.3137083 : f32
      %mul3A_170 = vector.broadcast %mul3A_169 : f32 to vector<16xf32>
      %mul3A_171 = arith.mulf %get3A_168, %mul3A_170 : vector<16xf32>
      %swap3A = arith.constant 0 : i32
      %swap3A_172 = arith.constant 0 : i32
      %swap3A_173 = tpu.memref_slice %arg7[%scan3A_55, %swap3A, %swap3A_172] : memref<2x128x128xf32, #tpu.memory_space<vmem>> -> memref<1x128x128xf32, #tpu.memory_space<vmem>>
      %swap3A_174 = tpu.memref_squeeze %swap3A_173 : memref<1x128x128xf32, #tpu.memory_space<vmem>> -> memref<128x128xf32, #tpu.memory_space<vmem>>
      %swap3A_175 = arith.index_cast %scan3A_157 : i32 to index
      %swap3A_176 = arith.constant 0 : index
      %swap3A_177 = tpu.vector_load %swap3A_174[%swap3A_175, %swap3A_176] {strides = array<i32>} : memref<128x128xf32, #tpu.memory_space<vmem>>, vector<1x16xf32>,
      %swap3A_178 = vector.shape_cast %swap3A_177 : vector<1x16xf32> to vector<16xf32>
      %swap3A_179 = vector.shape_cast %mul3A_171 : vector<16xf32> to vector<1x16xf32>
      tpu.vector_store %swap3A_174[%swap3A_175, %swap3A_176], %swap3A_179 {strides = array<i32>} : memref<128x128xf32, #tpu.memory_space<vmem>>, vector<1x16xf32>,
      %get3A_180 = arith.constant 0 : i32
      %get3A_181 = arith.constant 0 : i32
      %get3A_182 = tpu.memref_slice %arg6[%scan3A_54, %get3A_180, %get3A_181] : memref<2x256x128xf32, #tpu.memory_space<vmem>> -> memref<1x256x128xf32, #tpu.memory_space<vmem>>
      %get3A_183 = tpu.memref_squeeze %get3A_182 : memref<1x256x128xf32, #tpu.memory_space<vmem>> -> memref<256x128xf32, #tpu.memory_space<vmem>>
      %get3A_184 = arith.constant 0 : i32
      %get3A_185 = arith.constant 0 : i32
      %get3A_186 = tpu.memref_slice %get3A_183[%get3A_184, %get3A_185] : memref<256x128xf32, #tpu.memory_space<vmem>> -> memref<128x128xf32, #tpu.memory_space<vmem>>
      %get3A_187 = arith.index_cast %scan3A_157 : i32 to index
      %get3A_188 = arith.constant 16 : index
      %get3A_189 = tpu.vector_load %get3A_186[%get3A_187, %get3A_188] {strides = array<i32>} : memref<128x128xf32, #tpu.memory_space<vmem>>, vector<1x16xf32>,
      %get3A_190 = vector.shape_cast %get3A_189 : vector<1x16xf32> to vector<16xf32>
      %mul3A_191 = arith.constant 11.3137083 : f32
      %mul3A_192 = vector.broadcast %mul3A_191 : f32 to vector<16xf32>
      %mul3A_193 = arith.mulf %get3A_190, %mul3A_192 : vector<16xf32>
      %swap3A_194 = arith.constant 0 : i32
      %swap3A_195 = arith.constant 0 : i32
      %swap3A_196 = tpu.memref_slice %arg7[%scan3A_55, %swap3A_194, %swap3A_195] : memref<2x128x128xf32, #tpu.memory_space<vmem>> -> memref<1x128x128xf32, #tpu.memory_space<vmem>>
      %swap3A_197 = tpu.memref_squeeze %swap3A_196 : memref<1x128x128xf32, #tpu.memory_space<vmem>> -> memref<128x128xf32, #tpu.memory_space<vmem>>
      %swap3A_198 = arith.index_cast %scan3A_157 : i32 to index
      %swap3A_199 = arith.constant 16 : index
      %swap3A_200 = tpu.vector_load %swap3A_197[%swap3A_198, %swap3A_199] {strides = array<i32>} : memref<128x128xf32, #tpu.memory_space<vmem>>, vector<1x16xf32>,
      %swap3A_201 = vector.shape_cast %swap3A_200 : vector<1x16xf32> to vector<16xf32>
      %swap3A_202 = vector.shape_cast %mul3A_193 : vector<16xf32> to vector<1x16xf32>
      tpu.vector_store %swap3A_197[%swap3A_198, %swap3A_199], %swap3A_202 {strides = array<i32>} : memref<128x128xf32, #tpu.memory_space<vmem>>, vector<1x16xf32>,
      %get3A_203 = arith.constant 0 : i32
      %get3A_204 = arith.constant 0 : i32
      %get3A_205 = tpu.memref_slice %arg6[%scan3A_54, %get3A_203, %get3A_204] : memref<2x256x128xf32, #tpu.memory_space<vmem>> -> memref<1x256x128xf32, #tpu.memory_space<vmem>>
      %get3A_206 = tpu.memref_squeeze %get3A_205 : memref<1x256x128xf32, #tpu.memory_space<vmem>> -> memref<256x128xf32, #tpu.memory_space<vmem>>
      %get3A_207 = arith.constant 0 : i32
      %get3A_208 = arith.constant 0 : i32
      %get3A_209 = tpu.memref_slice %get3A_206[%get3A_207, %get3A_208] : memref<256x128xf32, #tpu.memory_space<vmem>> -> memref<128x128xf32, #tpu.memory_space<vmem>>
      %get3A_210 = arith.index_cast %scan3A_157 : i32 to index
      %get3A_211 = arith.constant 32 : index
      %get3A_212 = tpu.vector_load %get3A_209[%get3A_210, %get3A_211] {strides = array<i32>} : memref<128x128xf32, #tpu.memory_space<vmem>>, vector<1x16xf32>,
      %get3A_213 = vector.shape_cast %get3A_212 : vector<1x16xf32> to vector<16xf32>
      %mul3A_214 = arith.constant 11.3137083 : f32
      %mul3A_215 = vector.broadcast %mul3A_214 : f32 to vector<16xf32>
      %mul3A_216 = arith.mulf %get3A_213, %mul3A_215 : vector<16xf32>
      %swap3A_217 = arith.constant 0 : i32
      %swap3A_218 = arith.constant 0 : i32
      %swap3A_219 = tpu.memref_slice %arg7[%scan3A_55, %swap3A_217, %swap3A_218] : memref<2x128x128xf32, #tpu.memory_space<vmem>> -> memref<1x128x128xf32, #tpu.memory_space<vmem>>
      %swap3A_220 = tpu.memref_squeeze %swap3A_219 : memref<1x128x128xf32, #tpu.memory_space<vmem>> -> memref<128x128xf32, #tpu.memory_space<vmem>>
      %swap3A_221 = arith.index_cast %scan3A_157 : i32 to index
      %swap3A_222 = arith.constant 32 : index
      %swap3A_223 = tpu.vector_load %swap3A_220[%swap3A_221, %swap3A_222] {strides = array<i32>} : memref<128x128xf32, #tpu.memory_space<vmem>>, vector<1x16xf32>,
      %swap3A_224 = vector.shape_cast %swap3A_223 : vector<1x16xf32> to vector<16xf32>
      %swap3A_225 = vector.shape_cast %mul3A_216 : vector<16xf32> to vector<1x16xf32>
      tpu.vector_store %swap3A_220[%swap3A_221, %swap3A_222], %swap3A_225 {strides = array<i32>} : memref<128x128xf32, #tpu.memory_space<vmem>>, vector<1x16xf32>,
      %get3A_226 = arith.constant 0 : i32
      %get3A_227 = arith.constant 0 : i32
      %get3A_228 = tpu.memref_slice %arg6[%scan3A_54, %get3A_226, %get3A_227] : memref<2x256x128xf32, #tpu.memory_space<vmem>> -> memref<1x256x128xf32, #tpu.memory_space<vmem>>
      %get3A_229 = tpu.memref_squeeze %get3A_228 : memref<1x256x128xf32, #tpu.memory_space<vmem>> -> memref<256x128xf32, #tpu.memory_space<vmem>>
      %get3A_230 = arith.constant 0 : i32
      %get3A_231 = arith.constant 0 : i32
      %get3A_232 = tpu.memref_slice %get3A_229[%get3A_230, %get3A_231] : memref<256x128xf32, #tpu.memory_space<vmem>> -> memref<128x128xf32, #tpu.memory_space<vmem>>
      %get3A_233 = arith.index_cast %scan3A_157 : i32 to index
      %get3A_234 = arith.constant 48 : index
      %get3A_235 = tpu.vector_load %get3A_232[%get3A_233, %get3A_234] {strides = array<i32>} : memref<128x128xf32, #tpu.memory_space<vmem>>, vector<1x16xf32>,
      %get3A_236 = vector.shape_cast %get3A_235 : vector<1x16xf32> to vector<16xf32>
      %mul3A_237 = arith.constant 11.3137083 : f32
      %mul3A_238 = vector.broadcast %mul3A_237 : f32 to vector<16xf32>
      %mul3A_239 = arith.mulf %get3A_236, %mul3A_238 : vector<16xf32>
      %swap3A_240 = arith.constant 0 : i32
      %swap3A_241 = arith.constant 0 : i32
      %swap3A_242 = tpu.memref_slice %arg7[%scan3A_55, %swap3A_240, %swap3A_241] : memref<2x128x128xf32, #tpu.memory_space<vmem>> -> memref<1x128x128xf32, #tpu.memory_space<vmem>>
      %swap3A_243 = tpu.memref_squeeze %swap3A_242 : memref<1x128x128xf32, #tpu.memory_space<vmem>> -> memref<128x128xf32, #tpu.memory_space<vmem>>
      %swap3A_244 = arith.index_cast %scan3A_157 : i32 to index
      %swap3A_245 = arith.constant 48 : index
      %swap3A_246 = tpu.vector_load %swap3A_243[%swap3A_244, %swap3A_245] {strides = array<i32>} : memref<128x128xf32, #tpu.memory_space<vmem>>, vector<1x16xf32>,
      %swap3A_247 = vector.shape_cast %swap3A_246 : vector<1x16xf32> to vector<16xf32>
      %swap3A_248 = vector.shape_cast %mul3A_239 : vector<16xf32> to vector<1x16xf32>
      tpu.vector_store %swap3A_243[%swap3A_244, %swap3A_245], %swap3A_248 {strides = array<i32>} : memref<128x128xf32, #tpu.memory_space<vmem>>, vector<1x16xf32>,
      %get3A_249 = arith.constant 0 : i32
      %get3A_250 = arith.constant 0 : i32
      %get3A_251 = tpu.memref_slice %arg6[%scan3A_54, %get3A_249, %get3A_250] : memref<2x256x128xf32, #tpu.memory_space<vmem>> -> memref<1x256x128xf32, #tpu.memory_space<vmem>>
      %get3A_252 = tpu.memref_squeeze %get3A_251 : memref<1x256x128xf32, #tpu.memory_space<vmem>> -> memref<256x128xf32, #tpu.memory_space<vmem>>
      %get3A_253 = arith.constant 0 : i32
      %get3A_254 = arith.constant 0 : i32
      %get3A_255 = tpu.memref_slice %get3A_252[%get3A_253, %get3A_254] : memref<256x128xf32, #tpu.memory_space<vmem>> -> memref<128x128xf32, #tpu.memory_space<vmem>>
      %get3A_256 = arith.index_cast %scan3A_157 : i32 to index
      %get3A_257 = arith.constant 64 : index
      %get3A_258 = tpu.vector_load %get3A_255[%get3A_256, %get3A_257] {strides = array<i32>} : memref<128x128xf32, #tpu.memory_space<vmem>>, vector<1x16xf32>,
      %get3A_259 = vector.shape_cast %get3A_258 : vector<1x16xf32> to vector<16xf32>
      %mul3A_260 = arith.constant 11.3137083 : f32
      %mul3A_261 = vector.broadcast %mul3A_260 : f32 to vector<16xf32>
      %mul3A_262 = arith.mulf %get3A_259, %mul3A_261 : vector<16xf32>
      %swap3A_263 = arith.constant 0 : i32
      %swap3A_264 = arith.constant 0 : i32
      %swap3A_265 = tpu.memref_slice %arg7[%scan3A_55, %swap3A_263, %swap3A_264] : memref<2x128x128xf32, #tpu.memory_space<vmem>> -> memref<1x128x128xf32, #tpu.memory_space<vmem>>
      %swap3A_266 = tpu.memref_squeeze %swap3A_265 : memref<1x128x128xf32, #tpu.memory_space<vmem>> -> memref<128x128xf32, #tpu.memory_space<vmem>>
      %swap3A_267 = arith.index_cast %scan3A_157 : i32 to index
      %swap3A_268 = arith.constant 64 : index
      %swap3A_269 = tpu.vector_load %swap3A_266[%swap3A_267, %swap3A_268] {strides = array<i32>} : memref<128x128xf32, #tpu.memory_space<vmem>>, vector<1x16xf32>,
      %swap3A_270 = vector.shape_cast %swap3A_269 : vector<1x16xf32> to vector<16xf32>
      %swap3A_271 = vector.shape_cast %mul3A_262 : vector<16xf32> to vector<1x16xf32>
      tpu.vector_store %swap3A_266[%swap3A_267, %swap3A_268], %swap3A_271 {strides = array<i32>} : memref<128x128xf32, #tpu.memory_space<vmem>>, vector<1x16xf32>,
      %get3A_272 = arith.constant 0 : i32
      %get3A_273 = arith.constant 0 : i32
      %get3A_274 = tpu.memref_slice %arg6[%scan3A_54, %get3A_272, %get3A_273] : memref<2x256x128xf32, #tpu.memory_space<vmem>> -> memref<1x256x128xf32, #tpu.memory_space<vmem>>
      %get3A_275 = tpu.memref_squeeze %get3A_274 : memref<1x256x128xf32, #tpu.memory_space<vmem>> -> memref<256x128xf32, #tpu.memory_space<vmem>>
      %get3A_276 = arith.constant 0 : i32
      %get3A_277 = arith.constant 0 : i32
      %get3A_278 = tpu.memref_slice %get3A_275[%get3A_276, %get3A_277] : memref<256x128xf32, #tpu.memory_space<vmem>> -> memref<128x128xf32, #tpu.memory_space<vmem>>
      %get3A_279 = arith.index_cast %scan3A_157 : i32 to index
      %get3A_280 = arith.constant 80 : index
      %get3A_281 = tpu.vector_load %get3A_278[%get3A_279, %get3A_280] {strides = array<i32>} : memref<128x128xf32, #tpu.memory_space<vmem>>, vector<1x16xf32>,
      %get3A_282 = vector.shape_cast %get3A_281 : vector<1x16xf32> to vector<16xf32>
      %mul3A_283 = arith.constant 11.3137083 : f32
      %mul3A_284 = vector.broadcast %mul3A_283 : f32 to vector<16xf32>
      %mul3A_285 = arith.mulf %get3A_282, %mul3A_284 : vector<16xf32>
      %swap3A_286 = arith.constant 0 : i32
      %swap3A_287 = arith.constant 0 : i32
      %swap3A_288 = tpu.memref_slice %arg7[%scan3A_55, %swap3A_286, %swap3A_287] : memref<2x128x128xf32, #tpu.memory_space<vmem>> -> memref<1x128x128xf32, #tpu.memory_space<vmem>>
      %swap3A_289 = tpu.memref_squeeze %swap3A_288 : memref<1x128x128xf32, #tpu.memory_space<vmem>> -> memref<128x128xf32, #tpu.memory_space<vmem>>
      %swap3A_290 = arith.index_cast %scan3A_157 : i32 to index
      %swap3A_291 = arith.constant 80 : index
      %swap3A_292 = tpu.vector_load %swap3A_289[%swap3A_290, %swap3A_291] {strides = array<i32>} : memref<128x128xf32, #tpu.memory_space<vmem>>, vector<1x16xf32>,
      %swap3A_293 = vector.shape_cast %swap3A_292 : vector<1x16xf32> to vector<16xf32>
      %swap3A_294 = vector.shape_cast %mul3A_285 : vector<16xf32> to vector<1x16xf32>
      tpu.vector_store %swap3A_289[%swap3A_290, %swap3A_291], %swap3A_294 {strides = array<i32>} : memref<128x128xf32, #tpu.memory_space<vmem>>, vector<1x16xf32>,
      %get3A_295 = arith.constant 0 : i32
      %get3A_296 = arith.constant 0 : i32
      %get3A_297 = tpu.memref_slice %arg6[%scan3A_54, %get3A_295, %get3A_296] : memref<2x256x128xf32, #tpu.memory_space<vmem>> -> memref<1x256x128xf32, #tpu.memory_space<vmem>>
      %get3A_298 = tpu.memref_squeeze %get3A_297 : memref<1x256x128xf32, #tpu.memory_space<vmem>> -> memref<256x128xf32, #tpu.memory_space<vmem>>
      %get3A_299 = arith.constant 0 : i32
      %get3A_300 = arith.constant 0 : i32
      %get3A_301 = tpu.memref_slice %get3A_298[%get3A_299, %get3A_300] : memref<256x128xf32, #tpu.memory_space<vmem>> -> memref<128x128xf32, #tpu.memory_space<vmem>>
      %get3A_302 = arith.index_cast %scan3A_157 : i32 to index
      %get3A_303 = arith.constant 96 : index
      %get3A_304 = tpu.vector_load %get3A_301[%get3A_302, %get3A_303] {strides = array<i32>} : memref<128x128xf32, #tpu.memory_space<vmem>>, vector<1x16xf32>,
      %get3A_305 = vector.shape_cast %get3A_304 : vector<1x16xf32> to vector<16xf32>
      %mul3A_306 = arith.constant 11.3137083 : f32
      %mul3A_307 = vector.broadcast %mul3A_306 : f32 to vector<16xf32>
      %mul3A_308 = arith.mulf %get3A_305, %mul3A_307 : vector<16xf32>
      %swap3A_309 = arith.constant 0 : i32
      %swap3A_310 = arith.constant 0 : i32
      %swap3A_311 = tpu.memref_slice %arg7[%scan3A_55, %swap3A_309, %swap3A_310] : memref<2x128x128xf32, #tpu.memory_space<vmem>> -> memref<1x128x128xf32, #tpu.memory_space<vmem>>
      %swap3A_312 = tpu.memref_squeeze %swap3A_311 : memref<1x128x128xf32, #tpu.memory_space<vmem>> -> memref<128x128xf32, #tpu.memory_space<vmem>>
      %swap3A_313 = arith.index_cast %scan3A_157 : i32 to index
      %swap3A_314 = arith.constant 96 : index
      %swap3A_315 = tpu.vector_load %swap3A_312[%swap3A_313, %swap3A_314] {strides = array<i32>} : memref<128x128xf32, #tpu.memory_space<vmem>>, vector<1x16xf32>,
      %swap3A_316 = vector.shape_cast %swap3A_315 : vector<1x16xf32> to vector<16xf32>
      %swap3A_317 = vector.shape_cast %mul3A_308 : vector<16xf32> to vector<1x16xf32>
      tpu.vector_store %swap3A_312[%swap3A_313, %swap3A_314], %swap3A_317 {strides = array<i32>} : memref<128x128xf32, #tpu.memory_space<vmem>>, vector<1x16xf32>,
      %get3A_318 = arith.constant 0 : i32
      %get3A_319 = arith.constant 0 : i32
      %get3A_320 = tpu.memref_slice %arg6[%scan3A_54, %get3A_318, %get3A_319] : memref<2x256x128xf32, #tpu.memory_space<vmem>> -> memref<1x256x128xf32, #tpu.memory_space<vmem>>
      %get3A_321 = tpu.memref_squeeze %get3A_320 : memref<1x256x128xf32, #tpu.memory_space<vmem>> -> memref<256x128xf32, #tpu.memory_space<vmem>>
      %get3A_322 = arith.constant 0 : i32
      %get3A_323 = arith.constant 0 : i32
      %get3A_324 = tpu.memref_slice %get3A_321[%get3A_322, %get3A_323] : memref<256x128xf32, #tpu.memory_space<vmem>> -> memref<128x128xf32, #tpu.memory_space<vmem>>
      %get3A_325 = arith.index_cast %scan3A_157 : i32 to index
      %get3A_326 = arith.constant 112 : index
      %get3A_327 = tpu.vector_load %get3A_324[%get3A_325, %get3A_326] {strides = array<i32>} : memref<128x128xf32, #tpu.memory_space<vmem>>, vector<1x16xf32>,
      %get3A_328 = vector.shape_cast %get3A_327 : vector<1x16xf32> to vector<16xf32>
      %mul3A_329 = arith.constant 11.3137083 : f32
      %mul3A_330 = vector.broadcast %mul3A_329 : f32 to vector<16xf32>
      %mul3A_331 = arith.mulf %get3A_328, %mul3A_330 : vector<16xf32>
      %swap3A_332 = arith.constant 0 : i32
      %swap3A_333 = arith.constant 0 : i32
      %swap3A_334 = tpu.memref_slice %arg7[%scan3A_55, %swap3A_332, %swap3A_333] : memref<2x128x128xf32, #tpu.memory_space<vmem>> -> memref<1x128x128xf32, #tpu.memory_space<vmem>>
      %swap3A_335 = tpu.memref_squeeze %swap3A_334 : memref<1x128x128xf32, #tpu.memory_space<vmem>> -> memref<128x128xf32, #tpu.memory_space<vmem>>
      %swap3A_336 = arith.index_cast %scan3A_157 : i32 to index
      %swap3A_337 = arith.constant 112 : index
      %swap3A_338 = tpu.vector_load %swap3A_335[%swap3A_336, %swap3A_337] {strides = array<i32>} : memref<128x128xf32, #tpu.memory_space<vmem>>, vector<1x16xf32>,
      %swap3A_339 = vector.shape_cast %swap3A_338 : vector<1x16xf32> to vector<16xf32>
      %swap3A_340 = vector.shape_cast %mul3A_331 : vector<16xf32> to vector<1x16xf32>
      tpu.vector_store %swap3A_335[%swap3A_336, %swap3A_337], %swap3A_340 {strides = array<i32>} : memref<128x128xf32, #tpu.memory_space<vmem>>, vector<1x16xf32>,
      %scan3A_341 = arith.constant 0 : i32
      scf.yield %scan3A_341 : i32
    }
    %scan3A_62 = arith.constant 128 : i32
    %add3A_63 = arith.constant 6144 : i32
    %add3A_64 = arith.addi %mul3A_2, %add3A_63 : i32
    %add3A_65 = arith.constant 0 : i32
    %add3A_66 = arith.addi %add3A_64, %add3A_65 : i32
    %dma_start3A_67 = arith.constant 0 : i32
    %dma_start3A_68 = arith.constant 0 : i32
    %dma_start3A_69 = arith.constant 0 : i32
    %dma_start3A_70 = tpu.memref_slice %arg7[%dma_start3A_67, %dma_start3A_68, %dma_start3A_69] : memref<2x128x128xf32, #tpu.memory_space<vmem>> -> memref<1x128x128xf32, #tpu.memory_space<vmem>>
    %dma_start3A_71 = tpu.memref_squeeze %dma_start3A_70 : memref<1x128x128xf32, #tpu.memory_space<vmem>> -> memref<128x128xf32, #tpu.memory_space<vmem>>
    %dma_start3A_72 = arith.constant 0 : i32
    %dma_start3A_73 = tpu.memref_slice %arg4[%add3A_66, %dma_start3A_72] : memref<204800x128xf32, #tpu.memory_space<hbm>> -> memref<128x128xf32, #tpu.memory_space<hbm>>
    %dma_start3A_74 = arith.constant 0 : i32
    %dma_start3A_75 = tpu.memref_slice %arg4[%add3A_66, %dma_start3A_74] : memref<204800x128xf32, #tpu.memory_space<hbm>> -> memref<128x128xf32, #tpu.memory_space<hbm>>
    %dma_start3A_76 = arith.constant 0 : i32
    %dma_start3A_77 = arith.constant 0 : i32
    %dma_start3A_78 = tpu.memref_slice %arg7[%dma_start3A_67, %dma_start3A_76, %dma_start3A_77] : memref<2x128x128xf32, #tpu.memory_space<vmem>> -> memref<1x128x128xf32, #tpu.memory_space<vmem>>
    %dma_start3A_79 = tpu.memref_squeeze %dma_start3A_78 : memref<1x128x128xf32, #tpu.memory_space<vmem>> -> memref<128x128xf32, #tpu.memory_space<vmem>>
    tpu.enqueue_dma source(%dma_start3A_79 : memref<128x128xf32, #tpu.memory_space<vmem>>) target(%dma_start3A_75 : memref<128x128xf32, #tpu.memory_space<hbm>>) target_semaphore(%arg10 : memref<!tpu.dma_semaphore, #tpu.memory_space<semaphore_mem>>)
    %add3A_80 = arith.constant 5888 : i32
    %add3A_81 = arith.addi %mul3A_2, %add3A_80 : i32
    %add3A_82 = arith.constant 128 : i32
    %add3A_83 = arith.addi %add3A_81, %add3A_82 : i32
    %dma_wait3A_84 = arith.constant 1 : i32
    %dma_wait3A_85 = arith.constant 0 : i32
    %dma_wait3A_86 = arith.constant 0 : i32
    %dma_wait3A_87 = tpu.memref_slice %arg7[%dma_wait3A_84, %dma_wait3A_85, %dma_wait3A_86] : memref<2x128x128xf32, #tpu.memory_space<vmem>> -> memref<1x128x128xf32, #tpu.memory_space<vmem>>
    %dma_wait3A_88 = tpu.memref_squeeze %dma_wait3A_87 : memref<1x128x128xf32, #tpu.memory_space<vmem>> -> memref<128x128xf32, #tpu.memory_space<vmem>>
    %dma_wait3A_89 = arith.constant 0 : i32
    %dma_wait3A_90 = tpu.memref_slice %arg4[%add3A_83, %dma_wait3A_89] : memref<204800x128xf32, #tpu.memory_space<hbm>> -> memref<128x128xf32, #tpu.memory_space<hbm>>
    %dma_wait3A_91 = arith.constant 0 : i32
    %dma_wait3A_92 = tpu.memref_slice %arg4[%add3A_83, %dma_wait3A_91] : memref<204800x128xf32, #tpu.memory_space<hbm>> -> memref<128x128xf32, #tpu.memory_space<hbm>>
    %dma_wait3A_93 = arith.constant 0 : i32
    %dma_wait3A_94 = arith.constant 0 : i32
    %dma_wait3A_95 = tpu.memref_slice %arg7[%dma_wait3A_84, %dma_wait3A_93, %dma_wait3A_94] : memref<2x128x128xf32, #tpu.memory_space<vmem>> -> memref<1x128x128xf32, #tpu.memory_space<vmem>>
    %dma_wait3A_96 = tpu.memref_squeeze %dma_wait3A_95 : memref<1x128x128xf32, #tpu.memory_space<vmem>> -> memref<128x128xf32, #tpu.memory_space<vmem>>
    tpu.wait_dma2 semaphore(%arg11 : memref<!tpu.dma_semaphore, #tpu.memory_space<semaphore_mem>>) src(%dma_wait3A_96 : memref<128x128xf32, #tpu.memory_space<vmem>>) dst(%dma_wait3A_92 : memref<128x128xf32, #tpu.memory_space<hbm>>)
    %scan3A_97 = arith.constant 0 : i32
    %scan3A_98 = arith.constant 1 : i32
    %scan3A_99 = arith.constant 0 : i32
    %scan3A_100 = arith.constant 0 : i32
    %scan3A_101 = arith.constant 128 : i32
    %scan3A_102 = arith.addi %scan3A_100, %scan3A_101 : i32
    %scan3A_103 = arith.constant 1 : i32
    %scan3A_104 = scf.for %scan3A_157 = %scan3A_100 to %scan3A_102 step %scan3A_103 iter_args(%scan3A_158 = %scan3A_99) -> (i32)  : i32 {
      %get3A = arith.constant 0 : i32
      %get3A_159 = arith.constant 0 : i32
      %get3A_160 = tpu.memref_slice %arg6[%scan3A_97, %get3A, %get3A_159] : memref<2x256x128xf32, #tpu.memory_space<vmem>> -> memref<1x256x128xf32, #tpu.memory_space<vmem>>
      %get3A_161 = tpu.memref_squeeze %get3A_160 : memref<1x256x128xf32, #tpu.memory_space<vmem>> -> memref<256x128xf32, #tpu.memory_space<vmem>>
      %get3A_162 = arith.constant 128 : i32
      %get3A_163 = arith.constant 0 : i32
      %get3A_164 = tpu.memref_slice %get3A_161[%get3A_162, %get3A_163] : memref<256x128xf32, #tpu.memory_space<vmem>> -> memref<128x128xf32, #tpu.memory_space<vmem>>
      %get3A_165 = arith.index_cast %scan3A_157 : i32 to index
      %get3A_166 = arith.constant 0 : index
      %get3A_167 = tpu.vector_load %get3A_164[%get3A_165, %get3A_166] {strides = array<i32>} : memref<128x128xf32, #tpu.memory_space<vmem>>, vector<1x16xf32>,
      %get3A_168 = vector.shape_cast %get3A_167 : vector<1x16xf32> to vector<16xf32>
      %mul3A_169 = arith.constant 11.3137083 : f32
      %mul3A_170 = vector.broadcast %mul3A_169 : f32 to vector<16xf32>
      %mul3A_171 = arith.mulf %get3A_168, %mul3A_170 : vector<16xf32>
      %swap3A = arith.constant 0 : i32
      %swap3A_172 = arith.constant 0 : i32
      %swap3A_173 = tpu.memref_slice %arg7[%scan3A_98, %swap3A, %swap3A_172] : memref<2x128x128xf32, #tpu.memory_space<vmem>> -> memref<1x128x128xf32, #tpu.memory_space<vmem>>
      %swap3A_174 = tpu.memref_squeeze %swap3A_173 : memref<1x128x128xf32, #tpu.memory_space<vmem>> -> memref<128x128xf32, #tpu.memory_space<vmem>>
      %swap3A_175 = arith.index_cast %scan3A_157 : i32 to index
      %swap3A_176 = arith.constant 0 : index
      %swap3A_177 = tpu.vector_load %swap3A_174[%swap3A_175, %swap3A_176] {strides = array<i32>} : memref<128x128xf32, #tpu.memory_space<vmem>>, vector<1x16xf32>,
      %swap3A_178 = vector.shape_cast %swap3A_177 : vector<1x16xf32> to vector<16xf32>
      %swap3A_179 = vector.shape_cast %mul3A_171 : vector<16xf32> to vector<1x16xf32>
      tpu.vector_store %swap3A_174[%swap3A_175, %swap3A_176], %swap3A_179 {strides = array<i32>} : memref<128x128xf32, #tpu.memory_space<vmem>>, vector<1x16xf32>,
      %get3A_180 = arith.constant 0 : i32
      %get3A_181 = arith.constant 0 : i32
      %get3A_182 = tpu.memref_slice %arg6[%scan3A_97, %get3A_180, %get3A_181] : memref<2x256x128xf32, #tpu.memory_space<vmem>> -> memref<1x256x128xf32, #tpu.memory_space<vmem>>
      %get3A_183 = tpu.memref_squeeze %get3A_182 : memref<1x256x128xf32, #tpu.memory_space<vmem>> -> memref<256x128xf32, #tpu.memory_space<vmem>>
      %get3A_184 = arith.constant 128 : i32
      %get3A_185 = arith.constant 0 : i32
      %get3A_186 = tpu.memref_slice %get3A_183[%get3A_184, %get3A_185] : memref<256x128xf32, #tpu.memory_space<vmem>> -> memref<128x128xf32, #tpu.memory_space<vmem>>
      %get3A_187 = arith.index_cast %scan3A_157 : i32 to index
      %get3A_188 = arith.constant 16 : index
      %get3A_189 = tpu.vector_load %get3A_186[%get3A_187, %get3A_188] {strides = array<i32>} : memref<128x128xf32, #tpu.memory_space<vmem>>, vector<1x16xf32>,
      %get3A_190 = vector.shape_cast %get3A_189 : vector<1x16xf32> to vector<16xf32>
      %mul3A_191 = arith.constant 11.3137083 : f32
      %mul3A_192 = vector.broadcast %mul3A_191 : f32 to vector<16xf32>
      %mul3A_193 = arith.mulf %get3A_190, %mul3A_192 : vector<16xf32>
      %swap3A_194 = arith.constant 0 : i32
      %swap3A_195 = arith.constant 0 : i32
      %swap3A_196 = tpu.memref_slice %arg7[%scan3A_98, %swap3A_194, %swap3A_195] : memref<2x128x128xf32, #tpu.memory_space<vmem>> -> memref<1x128x128xf32, #tpu.memory_space<vmem>>
      %swap3A_197 = tpu.memref_squeeze %swap3A_196 : memref<1x128x128xf32, #tpu.memory_space<vmem>> -> memref<128x128xf32, #tpu.memory_space<vmem>>
      %swap3A_198 = arith.index_cast %scan3A_157 : i32 to index
      %swap3A_199 = arith.constant 16 : index
      %swap3A_200 = tpu.vector_load %swap3A_197[%swap3A_198, %swap3A_199] {strides = array<i32>} : memref<128x128xf32, #tpu.memory_space<vmem>>, vector<1x16xf32>,
      %swap3A_201 = vector.shape_cast %swap3A_200 : vector<1x16xf32> to vector<16xf32>
      %swap3A_202 = vector.shape_cast %mul3A_193 : vector<16xf32> to vector<1x16xf32>
      tpu.vector_store %swap3A_197[%swap3A_198, %swap3A_199], %swap3A_202 {strides = array<i32>} : memref<128x128xf32, #tpu.memory_space<vmem>>, vector<1x16xf32>,
      %get3A_203 = arith.constant 0 : i32
      %get3A_204 = arith.constant 0 : i32
      %get3A_205 = tpu.memref_slice %arg6[%scan3A_97, %get3A_203, %get3A_204] : memref<2x256x128xf32, #tpu.memory_space<vmem>> -> memref<1x256x128xf32, #tpu.memory_space<vmem>>
      %get3A_206 = tpu.memref_squeeze %get3A_205 : memref<1x256x128xf32, #tpu.memory_space<vmem>> -> memref<256x128xf32, #tpu.memory_space<vmem>>
      %get3A_207 = arith.constant 128 : i32
      %get3A_208 = arith.constant 0 : i32
      %get3A_209 = tpu.memref_slice %get3A_206[%get3A_207, %get3A_208] : memref<256x128xf32, #tpu.memory_space<vmem>> -> memref<128x128xf32, #tpu.memory_space<vmem>>
      %get3A_210 = arith.index_cast %scan3A_157 : i32 to index
      %get3A_211 = arith.constant 32 : index
      %get3A_212 = tpu.vector_load %get3A_209[%get3A_210, %get3A_211] {strides = array<i32>} : memref<128x128xf32, #tpu.memory_space<vmem>>, vector<1x16xf32>,
      %get3A_213 = vector.shape_cast %get3A_212 : vector<1x16xf32> to vector<16xf32>
      %mul3A_214 = arith.constant 11.3137083 : f32
      %mul3A_215 = vector.broadcast %mul3A_214 : f32 to vector<16xf32>
      %mul3A_216 = arith.mulf %get3A_213, %mul3A_215 : vector<16xf32>
      %swap3A_217 = arith.constant 0 : i32
      %swap3A_218 = arith.constant 0 : i32
      %swap3A_219 = tpu.memref_slice %arg7[%scan3A_98, %swap3A_217, %swap3A_218] : memref<2x128x128xf32, #tpu.memory_space<vmem>> -> memref<1x128x128xf32, #tpu.memory_space<vmem>>
      %swap3A_220 = tpu.memref_squeeze %swap3A_219 : memref<1x128x128xf32, #tpu.memory_space<vmem>> -> memref<128x128xf32, #tpu.memory_space<vmem>>
      %swap3A_221 = arith.index_cast %scan3A_157 : i32 to index
      %swap3A_222 = arith.constant 32 : index
      %swap3A_223 = tpu.vector_load %swap3A_220[%swap3A_221, %swap3A_222] {strides = array<i32>} : memref<128x128xf32, #tpu.memory_space<vmem>>, vector<1x16xf32>,
      %swap3A_224 = vector.shape_cast %swap3A_223 : vector<1x16xf32> to vector<16xf32>
      %swap3A_225 = vector.shape_cast %mul3A_216 : vector<16xf32> to vector<1x16xf32>
      tpu.vector_store %swap3A_220[%swap3A_221, %swap3A_222], %swap3A_225 {strides = array<i32>} : memref<128x128xf32, #tpu.memory_space<vmem>>, vector<1x16xf32>,
      %get3A_226 = arith.constant 0 : i32
      %get3A_227 = arith.constant 0 : i32
      %get3A_228 = tpu.memref_slice %arg6[%scan3A_97, %get3A_226, %get3A_227] : memref<2x256x128xf32, #tpu.memory_space<vmem>> -> memref<1x256x128xf32, #tpu.memory_space<vmem>>
      %get3A_229 = tpu.memref_squeeze %get3A_228 : memref<1x256x128xf32, #tpu.memory_space<vmem>> -> memref<256x128xf32, #tpu.memory_space<vmem>>
      %get3A_230 = arith.constant 128 : i32
      %get3A_231 = arith.constant 0 : i32
      %get3A_232 = tpu.memref_slice %get3A_229[%get3A_230, %get3A_231] : memref<256x128xf32, #tpu.memory_space<vmem>> -> memref<128x128xf32, #tpu.memory_space<vmem>>
      %get3A_233 = arith.index_cast %scan3A_157 : i32 to index
      %get3A_234 = arith.constant 48 : index
      %get3A_235 = tpu.vector_load %get3A_232[%get3A_233, %get3A_234] {strides = array<i32>} : memref<128x128xf32, #tpu.memory_space<vmem>>, vector<1x16xf32>,
      %get3A_236 = vector.shape_cast %get3A_235 : vector<1x16xf32> to vector<16xf32>
      %mul3A_237 = arith.constant 11.3137083 : f32
      %mul3A_238 = vector.broadcast %mul3A_237 : f32 to vector<16xf32>
      %mul3A_239 = arith.mulf %get3A_236, %mul3A_238 : vector<16xf32>
      %swap3A_240 = arith.constant 0 : i32
      %swap3A_241 = arith.constant 0 : i32
      %swap3A_242 = tpu.memref_slice %arg7[%scan3A_98, %swap3A_240, %swap3A_241] : memref<2x128x128xf32, #tpu.memory_space<vmem>> -> memref<1x128x128xf32, #tpu.memory_space<vmem>>
      %swap3A_243 = tpu.memref_squeeze %swap3A_242 : memref<1x128x128xf32, #tpu.memory_space<vmem>> -> memref<128x128xf32, #tpu.memory_space<vmem>>
      %swap3A_244 = arith.index_cast %scan3A_157 : i32 to index
      %swap3A_245 = arith.constant 48 : index
      %swap3A_246 = tpu.vector_load %swap3A_243[%swap3A_244, %swap3A_245] {strides = array<i32>} : memref<128x128xf32, #tpu.memory_space<vmem>>, vector<1x16xf32>,
      %swap3A_247 = vector.shape_cast %swap3A_246 : vector<1x16xf32> to vector<16xf32>
      %swap3A_248 = vector.shape_cast %mul3A_239 : vector<16xf32> to vector<1x16xf32>
      tpu.vector_store %swap3A_243[%swap3A_244, %swap3A_245], %swap3A_248 {strides = array<i32>} : memref<128x128xf32, #tpu.memory_space<vmem>>, vector<1x16xf32>,
      %get3A_249 = arith.constant 0 : i32
      %get3A_250 = arith.constant 0 : i32
      %get3A_251 = tpu.memref_slice %arg6[%scan3A_97, %get3A_249, %get3A_250] : memref<2x256x128xf32, #tpu.memory_space<vmem>> -> memref<1x256x128xf32, #tpu.memory_space<vmem>>
      %get3A_252 = tpu.memref_squeeze %get3A_251 : memref<1x256x128xf32, #tpu.memory_space<vmem>> -> memref<256x128xf32, #tpu.memory_space<vmem>>
      %get3A_253 = arith.constant 128 : i32
      %get3A_254 = arith.constant 0 : i32
      %get3A_255 = tpu.memref_slice %get3A_252[%get3A_253, %get3A_254] : memref<256x128xf32, #tpu.memory_space<vmem>> -> memref<128x128xf32, #tpu.memory_space<vmem>>
      %get3A_256 = arith.index_cast %scan3A_157 : i32 to index
      %get3A_257 = arith.constant 64 : index
      %get3A_258 = tpu.vector_load %get3A_255[%get3A_256, %get3A_257] {strides = array<i32>} : memref<128x128xf32, #tpu.memory_space<vmem>>, vector<1x16xf32>,
      %get3A_259 = vector.shape_cast %get3A_258 : vector<1x16xf32> to vector<16xf32>
      %mul3A_260 = arith.constant 11.3137083 : f32
      %mul3A_261 = vector.broadcast %mul3A_260 : f32 to vector<16xf32>
      %mul3A_262 = arith.mulf %get3A_259, %mul3A_261 : vector<16xf32>
      %swap3A_263 = arith.constant 0 : i32
      %swap3A_264 = arith.constant 0 : i32
      %swap3A_265 = tpu.memref_slice %arg7[%scan3A_98, %swap3A_263, %swap3A_264] : memref<2x128x128xf32, #tpu.memory_space<vmem>> -> memref<1x128x128xf32, #tpu.memory_space<vmem>>
      %swap3A_266 = tpu.memref_squeeze %swap3A_265 : memref<1x128x128xf32, #tpu.memory_space<vmem>> -> memref<128x128xf32, #tpu.memory_space<vmem>>
      %swap3A_267 = arith.index_cast %scan3A_157 : i32 to index
      %swap3A_268 = arith.constant 64 : index
      %swap3A_269 = tpu.vector_load %swap3A_266[%swap3A_267, %swap3A_268] {strides = array<i32>} : memref<128x128xf32, #tpu.memory_space<vmem>>, vector<1x16xf32>,
      %swap3A_270 = vector.shape_cast %swap3A_269 : vector<1x16xf32> to vector<16xf32>
      %swap3A_271 = vector.shape_cast %mul3A_262 : vector<16xf32> to vector<1x16xf32>
      tpu.vector_store %swap3A_266[%swap3A_267, %swap3A_268], %swap3A_271 {strides = array<i32>} : memref<128x128xf32, #tpu.memory_space<vmem>>, vector<1x16xf32>,
      %get3A_272 = arith.constant 0 : i32
      %get3A_273 = arith.constant 0 : i32
      %get3A_274 = tpu.memref_slice %arg6[%scan3A_97, %get3A_272, %get3A_273] : memref<2x256x128xf32, #tpu.memory_space<vmem>> -> memref<1x256x128xf32, #tpu.memory_space<vmem>>
      %get3A_275 = tpu.memref_squeeze %get3A_274 : memref<1x256x128xf32, #tpu.memory_space<vmem>> -> memref<256x128xf32, #tpu.memory_space<vmem>>
      %get3A_276 = arith.constant 128 : i32
      %get3A_277 = arith.constant 0 : i32
      %get3A_278 = tpu.memref_slice %get3A_275[%get3A_276, %get3A_277] : memref<256x128xf32, #tpu.memory_space<vmem>> -> memref<128x128xf32, #tpu.memory_space<vmem>>
      %get3A_279 = arith.index_cast %scan3A_157 : i32 to index
      %get3A_280 = arith.constant 80 : index
      %get3A_281 = tpu.vector_load %get3A_278[%get3A_279, %get3A_280] {strides = array<i32>} : memref<128x128xf32, #tpu.memory_space<vmem>>, vector<1x16xf32>,
      %get3A_282 = vector.shape_cast %get3A_281 : vector<1x16xf32> to vector<16xf32>
      %mul3A_283 = arith.constant 11.3137083 : f32
      %mul3A_284 = vector.broadcast %mul3A_283 : f32 to vector<16xf32>
      %mul3A_285 = arith.mulf %get3A_282, %mul3A_284 : vector<16xf32>
      %swap3A_286 = arith.constant 0 : i32
      %swap3A_287 = arith.constant 0 : i32
      %swap3A_288 = tpu.memref_slice %arg7[%scan3A_98, %swap3A_286, %swap3A_287] : memref<2x128x128xf32, #tpu.memory_space<vmem>> -> memref<1x128x128xf32, #tpu.memory_space<vmem>>
      %swap3A_289 = tpu.memref_squeeze %swap3A_288 : memref<1x128x128xf32, #tpu.memory_space<vmem>> -> memref<128x128xf32, #tpu.memory_space<vmem>>
      %swap3A_290 = arith.index_cast %scan3A_157 : i32 to index
      %swap3A_291 = arith.constant 80 : index
      %swap3A_292 = tpu.vector_load %swap3A_289[%swap3A_290, %swap3A_291] {strides = array<i32>} : memref<128x128xf32, #tpu.memory_space<vmem>>, vector<1x16xf32>,
      %swap3A_293 = vector.shape_cast %swap3A_292 : vector<1x16xf32> to vector<16xf32>
      %swap3A_294 = vector.shape_cast %mul3A_285 : vector<16xf32> to vector<1x16xf32>
      tpu.vector_store %swap3A_289[%swap3A_290, %swap3A_291], %swap3A_294 {strides = array<i32>} : memref<128x128xf32, #tpu.memory_space<vmem>>, vector<1x16xf32>,
      %get3A_295 = arith.constant 0 : i32
      %get3A_296 = arith.constant 0 : i32
      %get3A_297 = tpu.memref_slice %arg6[%scan3A_97, %get3A_295, %get3A_296] : memref<2x256x128xf32, #tpu.memory_space<vmem>> -> memref<1x256x128xf32, #tpu.memory_space<vmem>>
      %get3A_298 = tpu.memref_squeeze %get3A_297 : memref<1x256x128xf32, #tpu.memory_space<vmem>> -> memref<256x128xf32, #tpu.memory_space<vmem>>
      %get3A_299 = arith.constant 128 : i32
      %get3A_300 = arith.constant 0 : i32
      %get3A_301 = tpu.memref_slice %get3A_298[%get3A_299, %get3A_300] : memref<256x128xf32, #tpu.memory_space<vmem>> -> memref<128x128xf32, #tpu.memory_space<vmem>>
      %get3A_302 = arith.index_cast %scan3A_157 : i32 to index
      %get3A_303 = arith.constant 96 : index
      %get3A_304 = tpu.vector_load %get3A_301[%get3A_302, %get3A_303] {strides = array<i32>} : memref<128x128xf32, #tpu.memory_space<vmem>>, vector<1x16xf32>,
      %get3A_305 = vector.shape_cast %get3A_304 : vector<1x16xf32> to vector<16xf32>
      %mul3A_306 = arith.constant 11.3137083 : f32
      %mul3A_307 = vector.broadcast %mul3A_306 : f32 to vector<16xf32>
      %mul3A_308 = arith.mulf %get3A_305, %mul3A_307 : vector<16xf32>
      %swap3A_309 = arith.constant 0 : i32
      %swap3A_310 = arith.constant 0 : i32
      %swap3A_311 = tpu.memref_slice %arg7[%scan3A_98, %swap3A_309, %swap3A_310] : memref<2x128x128xf32, #tpu.memory_space<vmem>> -> memref<1x128x128xf32, #tpu.memory_space<vmem>>
      %swap3A_312 = tpu.memref_squeeze %swap3A_311 : memref<1x128x128xf32, #tpu.memory_space<vmem>> -> memref<128x128xf32, #tpu.memory_space<vmem>>
      %swap3A_313 = arith.index_cast %scan3A_157 : i32 to index
      %swap3A_314 = arith.constant 96 : index
      %swap3A_315 = tpu.vector_load %swap3A_312[%swap3A_313, %swap3A_314] {strides = array<i32>} : memref<128x128xf32, #tpu.memory_space<vmem>>, vector<1x16xf32>,
      %swap3A_316 = vector.shape_cast %swap3A_315 : vector<1x16xf32> to vector<16xf32>
      %swap3A_317 = vector.shape_cast %mul3A_308 : vector<16xf32> to vector<1x16xf32>
      tpu.vector_store %swap3A_312[%swap3A_313, %swap3A_314], %swap3A_317 {strides = array<i32>} : memref<128x128xf32, #tpu.memory_space<vmem>>, vector<1x16xf32>,
      %get3A_318 = arith.constant 0 : i32
      %get3A_319 = arith.constant 0 : i32
      %get3A_320 = tpu.memref_slice %arg6[%scan3A_97, %get3A_318, %get3A_319] : memref<2x256x128xf32, #tpu.memory_space<vmem>> -> memref<1x256x128xf32, #tpu.memory_space<vmem>>
      %get3A_321 = tpu.memref_squeeze %get3A_320 : memref<1x256x128xf32, #tpu.memory_space<vmem>> -> memref<256x128xf32, #tpu.memory_space<vmem>>
      %get3A_322 = arith.constant 128 : i32
      %get3A_323 = arith.constant 0 : i32
      %get3A_324 = tpu.memref_slice %get3A_321[%get3A_322, %get3A_323] : memref<256x128xf32, #tpu.memory_space<vmem>> -> memref<128x128xf32, #tpu.memory_space<vmem>>
      %get3A_325 = arith.index_cast %scan3A_157 : i32 to index
      %get3A_326 = arith.constant 112 : index
      %get3A_327 = tpu.vector_load %get3A_324[%get3A_325, %get3A_326] {strides = array<i32>} : memref<128x128xf32, #tpu.memory_space<vmem>>, vector<1x16xf32>,
      %get3A_328 = vector.shape_cast %get3A_327 : vector<1x16xf32> to vector<16xf32>
      %mul3A_329 = arith.constant 11.3137083 : f32
      %mul3A_330 = vector.broadcast %mul3A_329 : f32 to vector<16xf32>
      %mul3A_331 = arith.mulf %get3A_328, %mul3A_330 : vector<16xf32>
      %swap3A_332 = arith.constant 0 : i32
      %swap3A_333 = arith.constant 0 : i32
      %swap3A_334 = tpu.memref_slice %arg7[%scan3A_98, %swap3A_332, %swap3A_333] : memref<2x128x128xf32, #tpu.memory_space<vmem>> -> memref<1x128x128xf32, #tpu.memory_space<vmem>>
      %swap3A_335 = tpu.memref_squeeze %swap3A_334 : memref<1x128x128xf32, #tpu.memory_space<vmem>> -> memref<128x128xf32, #tpu.memory_space<vmem>>
      %swap3A_336 = arith.index_cast %scan3A_157 : i32 to index
      %swap3A_337 = arith.constant 112 : index
      %swap3A_338 = tpu.vector_load %swap3A_335[%swap3A_336, %swap3A_337] {strides = array<i32>} : memref<128x128xf32, #tpu.memory_space<vmem>>, vector<1x16xf32>,
      %swap3A_339 = vector.shape_cast %swap3A_338 : vector<1x16xf32> to vector<16xf32>
      %swap3A_340 = vector.shape_cast %mul3A_331 : vector<16xf32> to vector<1x16xf32>
      tpu.vector_store %swap3A_335[%swap3A_336, %swap3A_337], %swap3A_340 {strides = array<i32>} : memref<128x128xf32, #tpu.memory_space<vmem>>, vector<1x16xf32>,
      %scan3A_341 = arith.constant 0 : i32
      scf.yield %scan3A_341 : i32
    }
    %scan3A_105 = arith.constant 128 : i32
    %add3A_106 = arith.constant 6144 : i32
    %add3A_107 = arith.addi %mul3A_2, %add3A_106 : i32
    %add3A_108 = arith.constant 128 : i32
    %add3A_109 = arith.addi %add3A_107, %add3A_108 : i32
    %dma_start3A_110 = arith.constant 1 : i32
    %dma_start3A_111 = arith.constant 0 : i32
    %dma_start3A_112 = arith.constant 0 : i32
    %dma_start3A_113 = tpu.memref_slice %arg7[%dma_start3A_110, %dma_start3A_111, %dma_start3A_112] : memref<2x128x128xf32, #tpu.memory_space<vmem>> -> memref<1x128x128xf32, #tpu.memory_space<vmem>>
    %dma_start3A_114 = tpu.memref_squeeze %dma_start3A_113 : memref<1x128x128xf32, #tpu.memory_space<vmem>> -> memref<128x128xf32, #tpu.memory_space<vmem>>
    %dma_start3A_115 = arith.constant 0 : i32
    %dma_start3A_116 = tpu.memref_slice %arg4[%add3A_109, %dma_start3A_115] : memref<204800x128xf32, #tpu.memory_space<hbm>> -> memref<128x128xf32, #tpu.memory_space<hbm>>
    %dma_start3A_117 = arith.constant 0 : i32
    %dma_start3A_118 = tpu.memref_slice %arg4[%add3A_109, %dma_start3A_117] : memref<204800x128xf32, #tpu.memory_space<hbm>> -> memref<128x128xf32, #tpu.memory_space<hbm>>
    %dma_start3A_119 = arith.constant 0 : i32
    %dma_start3A_120 = arith.constant 0 : i32
    %dma_start3A_121 = tpu.memref_slice %arg7[%dma_start3A_110, %dma_start3A_119, %dma_start3A_120] : memref<2x128x128xf32, #tpu.memory_space<vmem>> -> memref<1x128x128xf32, #tpu.memory_space<vmem>>
    %dma_start3A_122 = tpu.memref_squeeze %dma_start3A_121 : memref<1x128x128xf32, #tpu.memory_space<vmem>> -> memref<128x128xf32, #tpu.memory_space<vmem>>
    tpu.enqueue_dma source(%dma_start3A_122 : memref<128x128xf32, #tpu.memory_space<vmem>>) target(%dma_start3A_118 : memref<128x128xf32, #tpu.memory_space<hbm>>) target_semaphore(%arg11 : memref<!tpu.dma_semaphore, #tpu.memory_space<semaphore_mem>>)
    %add3A_123 = arith.constant 6144 : i32
    %add3A_124 = arith.addi %mul3A_2, %add3A_123 : i32
    %add3A_125 = arith.constant 0 : i32
    %add3A_126 = arith.addi %add3A_124, %add3A_125 : i32
    %dma_wait3A_127 = arith.constant 0 : i32
    %dma_wait3A_128 = arith.constant 0 : i32
    %dma_wait3A_129 = arith.constant 0 : i32
    %dma_wait3A_130 = tpu.memref_slice %arg7[%dma_wait3A_127, %dma_wait3A_128, %dma_wait3A_129] : memref<2x128x128xf32, #tpu.memory_space<vmem>> -> memref<1x128x128xf32, #tpu.memory_space<vmem>>
    %dma_wait3A_131 = tpu.memref_squeeze %dma_wait3A_130 : memref<1x128x128xf32, #tpu.memory_space<vmem>> -> memref<128x128xf32, #tpu.memory_space<vmem>>
    %dma_wait3A_132 = arith.constant 0 : i32
    %dma_wait3A_133 = tpu.memref_slice %arg4[%add3A_126, %dma_wait3A_132] : memref<204800x128xf32, #tpu.memory_space<hbm>> -> memref<128x128xf32, #tpu.memory_space<hbm>>
    %dma_wait3A_134 = arith.constant 0 : i32
    %dma_wait3A_135 = tpu.memref_slice %arg4[%add3A_126, %dma_wait3A_134] : memref<204800x128xf32, #tpu.memory_space<hbm>> -> memref<128x128xf32, #tpu.memory_space<hbm>>
    %dma_wait3A_136 = arith.constant 0 : i32
    %dma_wait3A_137 = arith.constant 0 : i32
    %dma_wait3A_138 = tpu.memref_slice %arg7[%dma_wait3A_127, %dma_wait3A_136, %dma_wait3A_137] : memref<2x128x128xf32, #tpu.memory_space<vmem>> -> memref<1x128x128xf32, #tpu.memory_space<vmem>>
    %dma_wait3A_139 = tpu.memref_squeeze %dma_wait3A_138 : memref<1x128x128xf32, #tpu.memory_space<vmem>> -> memref<128x128xf32, #tpu.memory_space<vmem>>
    tpu.wait_dma2 semaphore(%arg10 : memref<!tpu.dma_semaphore, #tpu.memory_space<semaphore_mem>>) src(%dma_wait3A_139 : memref<128x128xf32, #tpu.memory_space<vmem>>) dst(%dma_wait3A_135 : memref<128x128xf32, #tpu.memory_space<hbm>>)
    %add3A_140 = arith.constant 6144 : i32
    %add3A_141 = arith.addi %mul3A_2, %add3A_140 : i32
    %add3A_142 = arith.constant 128 : i32
    %add3A_143 = arith.addi %add3A_141, %add3A_142 : i32
    %dma_wait3A_144 = arith.constant 1 : i32
    %dma_wait3A_145 = arith.constant 0 : i32
    %dma_wait3A_146 = arith.constant 0 : i32
    %dma_wait3A_147 = tpu.memref_slice %arg7[%dma_wait3A_144, %dma_wait3A_145, %dma_wait3A_146] : memref<2x128x128xf32, #tpu.memory_space<vmem>> -> memref<1x128x128xf32, #tpu.memory_space<vmem>>
    %dma_wait3A_148 = tpu.memref_squeeze %dma_wait3A_147 : memref<1x128x128xf32, #tpu.memory_space<vmem>> -> memref<128x128xf32, #tpu.memory_space<vmem>>
    %dma_wait3A_149 = arith.constant 0 : i32
    %dma_wait3A_150 = tpu.memref_slice %arg4[%add3A_143, %dma_wait3A_149] : memref<204800x128xf32, #tpu.memory_space<hbm>> -> memref<128x128xf32, #tpu.memory_space<hbm>>
    %dma_wait3A_151 = arith.constant 0 : i32
    %dma_wait3A_152 = tpu.memref_slice %arg4[%add3A_143, %dma_wait3A_151] : memref<204800x128xf32, #tpu.memory_space<hbm>> -> memref<128x128xf32, #tpu.memory_space<hbm>>
    %dma_wait3A_153 = arith.constant 0 : i32
    %dma_wait3A_154 = arith.constant 0 : i32
    %dma_wait3A_155 = tpu.memref_slice %arg7[%dma_wait3A_144, %dma_wait3A_153, %dma_wait3A_154] : memref<2x128x128xf32, #tpu.memory_space<vmem>> -> memref<1x128x128xf32, #tpu.memory_space<vmem>>
    %dma_wait3A_156 = tpu.memref_squeeze %dma_wait3A_155 : memref<1x128x128xf32, #tpu.memory_space<vmem>> -> memref<128x128xf32, #tpu.memory_space<vmem>>
    tpu.wait_dma2 semaphore(%arg11 : memref<!tpu.dma_semaphore, #tpu.memory_space<semaphore_mem>>) src(%dma_wait3A_156 : memref<128x128xf32, #tpu.memory_space<vmem>>) dst(%dma_wait3A_152 : memref<128x128xf32, #tpu.memory_space<hbm>>)
    return
  }
}

</mosaic_0001>

<sc_bundles>
// kernel: kernel.3.cloned.1.call-start
scs
__scs_entry_jumppad:
0x0: {  	(pc) =	sbr.rel $0x88, $3  }
0x1: {  	(tag) =	ssettag $0x0;
	lr =	simm.s32 $0x1  }
0x2: {  	[smem:$0x3F9F] =	sst lr;
	_ =	strace $0xD0000000  }
0x3: {  	_ = 	snop  }
0x4: {  	_ = 	snop  }
0x5: {  	_ = 	snop  }
0x6: {  	_ = 	snop  }
0x7: {  	_ = 	snop  }
__scs_overlays_trampoline_lowered:
0x8: {  	[smem:$0x3FAE] =	sst s0  }
0x9: {  	[smem:$0x3FAF] =	sst s1  }
0xa: {  	[smem:$0x3FB0] =	sst s2  }
0xb: {  	[smem:$0x3FB1] =	sst s3  }
0xc: {  	[smem:$0x3FB2] =	sst s4  }
0xd: {  	[smem:$0x3FB3] =	sst s5  }
0xe: {  	[smem:$0x3FB4] =	sst s6  }
0xf: {  	[smem:$0x3FB5] =	sst s7  }
0x10: {  	[smem:$0x3FB6] =	sst s8  }
0x11: {  	[smem:$0x3FB7] =	sst s9;
	s0 =	simm.s32 @!p0 $0x0  }
0x12: {  	s1 =	sld [smem:$0x3F9D];
	s0 =	simm.s32 @p0 $0x1  }
0x13: {  	[smem:$0x3FB8] =	sst s0;
	s0 =	simm.s32 @!p1 $0x0  }
0x14: {  	s2 =	sld [smem:$0x3F9C];
	s0 =	simm.s32 @p1 $0x1  }
0x15: {  	[smem:$0x3FB9] =	sst s0;
	s0 =	simm.s32 @!p2 $0x0  }
0x16: {  	s3 =	sld [smem:$0x3FDB];
	s0 =	simm.s32 @p2 $0x1  }
0x17: {  	s4 =	simm.s32 $0x1BF5;
	[smem:$0x3FBB] =	sst s0  }
0x18: {  	s0 =	sld [smem:$0x3F9E];
	_ =	swait.ge [sflag:s4], $0x0  }
0x19: {  	s7 =	sld [smem:$0x3F9F]  }
0x1a: {  	s8 =	sadd.s32 $0xFFFFE003, lr  }
0x1b: {  	s9 =	sadd.s32 $0xFFFFFEF7, lr;
	s5 =	simm.s32 $0xFFFFFFFF;
	p2 =	slt.u32 s8, $0xFFFFF086  }
0x1c: {  	p1 =	slt.u32 s9, $0xF7A;
	s5 =	simm.s32 @!p2 $0x0  }
0x1d: {  	s5 =	simm.s32 @p1 $0x1;
	p0 =	seq.s32 s7, s2  }
0x1e: {  	s7 =	smul.u32 @!p0 $0xF7A, s2;
	p2 =	seq.s32 @!p0 s5, $0x0  }
0x1f: {  	s9 =	smul.u32 $0xF7A, s1;
	s8 =	simm.s32 @!p0 $0x1BF5;
	p2 =	por !p2, p0  }
0x20: {  	[sflag:s8] =	ssyncset.s32 @!p0 $0xFFFFF086;
	s6 =	sadd.s32 @!p0 s3, s7;
	s7 =	simm.s32 @!p0 $0x108  }
0x21: {  	s3 =	sadd.s32 s3, s9;
	s6 =	sadd.s32 @!p0 $0x88, s6;
	s7 =	simm.s32 @p2 $0x1082  }
0x22: {  	[simem:s7], [sflag:s8] =	dma.local @!p0 [hbm:s6], $0xF7A  }
0x23: {  	s9 =	sor.u32 $0xD0000000, s2;
	s6 =	simm.s32 $0x108;
	_ =	swait.ge @!p0 [sflag:s8], $0x0  }
0x24: {  	s3 =	sadd.s32 $0x88, s3;
	s6 =	simm.s32 @!p1 $0x1082;
	[sflag:s4] =	ssyncset.s32 $0xFFFFF086  }
0x25: {  	[simem:s6], [sflag:s4] =	dma.local [hbm:s3], $0xF7A  }
0x26: {  	[smem:$0x3F9F] =	sst s1;
	(tag) =	ssettag s2;
	_ =	strace s9  }
0x27: {  	s1 =	sld [smem:$0x3FAF]  }
0x28: {  	s2 =	sld [smem:$0x3FB0]  }
0x29: {  	s4 =	sld [smem:$0x3FB2]  }
0x2a: {  	p0 =	seq.s32 s5, $0x0;
	s5 =	sld [smem:$0x3FB3]  }
0x2b: {  	s6 =	sld [smem:$0x3FB4]  }
0x2c: {  	s7 =	sld [smem:$0x3FB5]  }
0x2d: {  	s3 =	simm.s32 $0x108;
	s8 =	sld [smem:$0x3FB6]  }
0x2e: {  	s3 =	simm.s32 @!p0 $0x1082;
	s9 =	sld [smem:$0x3FB7]  }
0x2f: {  	lr =	sadd.s32 s0, s3;
	s0 =	sld [smem:$0x3FAE]  }
0x30: {  	s3 =	sld [smem:$0x3FB1]  }
0x31: {  	[smem:$0x3FBA] =	sst s10  }
0x32: {  	s10 =	sld [smem:$0x3FB8];
	_ =	sdelay $0x3  }
0x33: {  	p0 =	seq.s32 s10, $0x1;
	s10 =	sld [smem:$0x3FBA];
	_ =	sdelay $0x3  }
0x34: {  	[smem:$0x3FBA] =	sst s10  }
0x35: {  	s10 =	sld [smem:$0x3FB9];
	_ =	sdelay $0x3  }
0x36: {  	p1 =	seq.s32 s10, $0x1;
	s10 =	sld [smem:$0x3FBA];
	_ =	sdelay $0x3  }
0x37: {  	[smem:$0x3FBA] =	sst s10  }
0x38: {  	s10 =	sld [smem:$0x3FBB]  }
0x39: {  	_ = 	snop;
	(pc) =	sbr.ind lr, $3  }
0x3a: {  	_ = 	snop  }
0x3b: {  	_ = 	snop  }
0x3c: {  	p2 =	seq.s32 s10, $0x1;
	s10 =	sld [smem:$0x3FBA]  }
0x3d: {  	_ =	shalt  }
0x3e: {  	_ =	shalt  }
0x3f: {  	_ =	shalt  }
0x40: {  	_ =	shalt  }
0x41: {  	_ =	shalt  }
0x42: {  	_ =	shalt  }
0x43: {  	_ =	shalt  }
0x44: {  	_ =	shalt  }
0x45: {  	_ =	shalt  }
0x46: {  	_ =	shalt  }
0x47: {  	_ =	shalt  }
0x48: {  	_ =	shalt  }
0x49: {  	_ =	shalt  }
0x4a: {  	_ =	shalt  }
0x4b: {  	_ =	shalt  }
0x4c: {  	_ =	shalt  }
0x4d: {  	_ =	shalt  }
0x4e: {  	_ =	shalt  }
0x4f: {  	_ =	shalt  }
0x50: {  	_ =	shalt  }
0x51: {  	_ =	shalt  }
0x52: {  	_ =	shalt  }
0x53: {  	_ =	shalt  }
0x54: {  	_ =	shalt  }
0x55: {  	_ =	shalt  }
0x56: {  	_ =	shalt  }
0x57: {  	_ =	shalt  }
0x58: {  	_ =	shalt  }
0x59: {  	_ =	shalt  }
0x5a: {  	_ =	shalt  }
0x5b: {  	_ =	shalt  }
0x5c: {  	_ =	shalt  }
0x5d: {  	_ =	shalt  }
0x5e: {  	_ =	shalt  }
0x5f: {  	_ =	shalt  }
0x60: {  	_ =	shalt  }
0x61: {  	_ =	shalt  }
0x62: {  	_ =	shalt  }
0x63: {  	_ =	shalt  }
0x64: {  	_ =	shalt  }
0x65: {  	_ =	shalt  }
0x66: {  	_ =	shalt  }
0x67: {  	_ =	shalt  }
0x68: {  	_ =	shalt  }
0x69: {  	_ =	shalt  }
0x6a: {  	_ =	shalt  }
0x6b: {  	_ =	shalt  }
0x6c: {  	_ =	shalt  }
0x6d: {  	_ =	shalt  }
0x6e: {  	_ =	shalt  }
0x6f: {  	_ =	shalt  }
0x70: {  	_ =	shalt  }
0x71: {  	_ =	shalt  }
0x72: {  	_ =	shalt  }
0x73: {  	_ =	shalt  }
0x74: {  	_ =	shalt  }
0x75: {  	_ =	shalt  }
0x76: {  	_ =	shalt  }
0x77: {  	_ =	shalt  }
0x78: {  	_ =	shalt  }
0x79: {  	_ =	shalt  }
0x7a: {  	_ =	shalt  }
0x7b: {  	_ =	shalt  }
0x7c: {  	_ =	shalt  }
0x7d: {  	_ =	shalt  }
0x7e: {  	_ =	shalt  }
0x7f: {  	_ =	shalt  }
0x80: {  	_ =	shalt  }
0x81: {  	_ =	shalt  }
0x82: {  	_ =	shalt  }
0x83: {  	_ =	shalt  }
0x84: {  	_ =	shalt  }
0x85: {  	_ =	shalt  }
0x86: {  	_ =	shalt  }
0x87: {  	_ =	shalt  }
.Lfunc_end0:
.L_simem_size_0:
called_computation_lowered:
.L_overlay_start_0:
0x88: {  	s2 =	sld [smem:$0x3FD9]  }
0x89: {  	s3 =	sld [smem:$0x3FFE];
	_ =	sdelay $0x1  }
0x8a: {  	s1 =	srdreg.scid  }
0x8b: {  	s0 =	sand.u32 $0x1, s1  }
0x8c: {  	s17 =	sshll.u32 s0, $0xA;
	s2 =	sadd.s32 s3, s2  }
0x8d: {  	s2 =	sadd.s32 s2, s17  }
0x8e: {  	[smem:$0x3FC6] =	sst s2  }
0x8f: {  	_ = 	snop  }
0x90: {  	s2 =	sld [smem:$0x3FC8]  }
0x91: {  	s18 =	sld [smem:$0x3FD0];
	(tm) =	ssettm $0x1  }
0x92: {  	s4 =	sld [smem:$0x3FFB];
	_ =	sdelay $0x3  }
0x93: {  	_ =	strace s4  }
0x94: {  	s4 =	sld [smem:$0x3FFC];
	_ =	sdelay $0x3  }
0x95: {  	_ =	strace s4  }
0x96: {  	s4 =	sld [smem:$0x3FFD];
	_ =	sdelay $0x3  }
0x97: {  	_ =	strace s4  }
0x98: {  	_ =	strace $0x8FFFFFFF  }
0x99: {  	s19 =	sld [smem:$0x3FDB];
	_ =	sdelay $0x1  }
0x9a: {  	s5 =	simm.s32 $_scs_section_size  }
0x9b: {  	s6 =	simm.s32 $_size__tile_overlayer_lowered;
	s7 =	simm.s32 $_tile_overlayer_lowered  }
0x9c: {  	s22 =	simm.s32 $0x1BFF;
	s21 =	sshll.u32 s7, $0x1;
	s4 =	sadd.s32 s5, s19  }
0x9d: {  	s8 =	simm.s32 $0x0;
	s20 =	sshll.u32 s6, $0x1;
	s6 =	sadd.s32 s21, s4  }
0x9e: {  	[timem:s8], [sflag:s22] =	dma.local [hbm:s6], s20  }
0x9f: {  	_ =	swait.ge [sflag:s22], s20  }
0xa0: {  	s5 =	ssub.s32 $0x0, s20;
	[sflag:s22] =	ssyncset.done $0x0  }
0xa1: {  	[sflag:s22] =	ssyncadd.s32 s5;
	_ =	sdelay $0x1  }
0xa2: {  	s23 =	simm.s32 $0x1B8B  }
0xa3: {  	_ =	swait.ge [sflag:s23], $0x1  }
0xa4: {  	[sflag:s23] =	ssyncset.done $0x0  }
0xa5: {  	s25 =	simm.s32 $0x1B8E;
	s24 =	sld [smem:$0x3FFE];
	[sflag:s23] =	ssyncadd.s32 $0xFFFFFFFF  }
0xa6: {  	s26 =	simm.s32 $execute0_lowered;
	[smem:$0x3FD2] =	sst s25  }
0xa7: {  	s6 =	sshll.u32 s26, $0x1;
	_ =	strace $0x80000046;
	[dreg:$0x1] =	wrdreg $0xFFFFFFFF  }
0xa8: {  	s28 =	simm.s32 $_size_execute0_lowered;
	s4 =	sadd.s32 s4, s6;
	[dreg:$0x0] =	wrdreg $0x0  }
0xa9: {  	s6 =	sshll.u32 s28, $0x1;
	[dreg:$0x2] =	wrdreg s4  }
0xaa: {  	[dreg:$0x3] =	wrdreg s6  }
0xab: {  	[dreg:$0x4] =	wrdreg $0xC0  }
0xac: {  	_ =	task [dreg:s8], $0x5FFFF  }
0xad: {  	[dreg:$0x1] =	wrdreg $0xFFFFFFFF  }
0xae: {  	[dreg:$0x0] =	wrdreg $0x60  }
0xaf: {  	[dreg:$0x2] =	wrdreg s2  }
0xb0: {  	[dreg:$0x3] =	wrdreg s24  }
0xb1: {  	[dreg:$0x4] =	wrdreg s18  }
0xb2: {  	[dreg:$0x5] =	wrdreg $0x9  }
0xb3: {  	_ =	task.clear_ibuf [dreg:s8], $0x6FFFF;
	_ =	strace $0x90000046  }
0xb4: {  	s29 =	simm.s32 $0x9;
	_ =	strace $0x80000048  }
0xb5: {  	_ =	swait.ge [sflag:s29], $0x1  }
0xb6: {  	[sflag:s29] =	ssyncadd.s32 $0xFFFFFFFF  }
0xb7: {  	_ =	strace $0x90000048  }
0xb8: {  	_ =	sfence  }
0xb9: {  	s30 =	sld [smem:$0x0];
	_ =	sdelay $0x2  }
0xba: {  	s31 =	sshll.u32 s1, $0xD;
	s1 =	sshrl.u32 s1, $0x2  }
0xbb: {  	s3 =	sand.u32 $0x4000, s31;
	s1 =	sadd.s32 s1, s30  }
0xbc: {  	s0 =	sor.u32 s3, s0;
	s1 =	sshll.u32 s1, $0x11  }
0xbd: {  	s0 =	sor.u32 s1, s0  }
0xbe: {  	s0 =	sadd.s32 $0x8F2B, s0  }
0xbf: {  	[sflag:s0] =	ssyncadd.remote.s32 $0x1  }
0xc0: {  	_ =	sfence.sel $0xFFFF  }
0xc1: {  	[dreg:$0x0] =	wrdreg $0xFFFFFFFF;
	(pc) =	sbr.abs _section_cstart, $3  }
0xc2: {  	[dreg:$0x1] =	wrdreg $0xFFFFFFFF  }
0xc3: {  	_ =	task.clear_ibuf [dreg:s8], $0x2FFFF;
	_ =	strace $0x9FFFFFFF  }
0xc4: {  	(tm) =	ssettm $0x7FFFFFFF  }
0xc5: {  	_ =	shalt  }
tec
execute0_lowered:
.L_overlay_start_1:
0x0: {  	(tag) =	ssettag $0x1  }
0x1: {  	s1 =	srdreg.scid  }
0x2: {  	s0 =	stileid.u32;
	s7 =	rddreg [dreg:$0x1]  }
0x3: {  	s3 =	rddreg [dreg:$0x2];
	s4 =	simm.s32 $0x0;
	s12 =	simm.s32 $0x80  }
0x4: {  	s13 =	simm.s32 $0x400;
	s14 =	simm.s32 $0x5;
	s15 =	simm.s32 $0x100  }
0x5: {  	s16 =	simm.s32 $0x1900;
	s17 =	simm.s32 $0x9900;
	s18 =	simm.s32 $0x1  }
0x6: {  	s19 =	simm.s32 $0x11900;
	s20 =	simm.s32 $0x15900;
	s21 =	simm.s32 $0x2  }
0x7: {  	s22 =	simm.s32 $0x3;
	s23 =	simm.s32 $0x4;
	s24 =	simm.s32 $0x0  }
0x8: {  	s5 =	sand.u32 $0x1, s1;
	s2 =	sshll.u32 s0, $0x1;
	s1 =	rddreg [dreg:$0x0]  }
0x9: {  	s26 =	sshrl.u32 s0, $0x2;
	[smem:$0x7FF] =	sst s4;
	s6 =	sor.u32 s5, s2  }
0xa: {  	s8 =	smul.u32 $0xC800, s26;
	s2 =	rddreg [dreg:$0x3];
	_ =	strace $0x80000047  }
0xb: {  	s30 =	ssub.s32 $0x2, s5;
	s28 =	sshll.u32 s6, $0x7;
	s29 =	smul.u32 $0xC8000, s6  }
0xc: {  	s10 =	sshrl.u32 s30, $0x1;
	s5 =	smul.u32 $0x1900, s6;
	s9 =	sand.u32 $0x380, s28  }
0xd: {  	s11 =	ssub.s32 s30, s10;
	s8 =	sor.u32 s8, s9;
	s9 =	sshrl.u32 s29, $0x3  }
0xe: {  	s11 =	smax.u32 s11, $0x1;
	s8 =	sshrl.u32 s8, $0x3;
	s31 =	sadd.s32 s3, s9  }
0xf: {  	s7 =	sadd.s32 s8, s7;
	s8 =	sadd.s32 $0x100, s5;
	s9 =	sadd.s32 $0x18000, s31  }
0x10: {  	s10 =	sadd.s32 $0x18800, s31;
	s6 =	sadd.s32 $0x400, s7;
	s7 =	sadd.s32 $0x800, s3  }
.LBB2_1:
0x11: {  	[tilespmem:s4], [sflag:$0x5] =	stream.strided.gather [hbm4b:s6+s12], $0x1900, s13, s12, $0x38;
	[tilespmem:$0x19900] =	vst v63  }
0x12: {  	_ =	swait.ge [sflag:s14], $0x1900  }
0x13: {  	[sflag:s14] =	ssyncset.done $0x0  }
0x14: {  	[sflag:s14] =	ssyncadd.s32 $0xFFFFE700  }
0x15: {  	[tilespmem:s16], [sflag:$0x1] =	stream.indirect.gather [hbm4b:s1+s15], $0x80, s4, s15, $0xb8;
	[tilespmem:$0x19900] =	vst v63  }
0x16: {  	s25 =	simm.s32 $0x0  }
0x17: {  	[tilespmem:s17], [sflag:$0x2] =	stream.indirect.gather [hbm4b:s1+s15], $0x80, s15, s15, $0xb8;
	[tilespmem:$0x19900] =	vst v63  }
.LBB2_2:
0x18: {  	_ =	swait.ge [sflag:s18], $0x8000  }
0x19: {  	p0 =	seq.s32 s25, $0x0;
	[sflag:s18] =	ssyncset.done $0x0  }
0x1a: {  	s26 =	simm.s32 @!p0 $0x3;
	[sflag:s18] =	ssyncadd.s32 $0xFFFF8000  }
0x1b: {  	_ =	swait.ge @!p0 [sflag:s26], $0x4000  }
0x1c: {  	[sflag:s26] =	ssyncset.done @!p0 $0x0  }
0x1d: {  	[sflag:s26] =	ssyncadd.s32 @!p0 $0xFFFFC000;
	s26 =	simm.s32 $0x0  }
0x1e: {  	v1 =	vld [tilespmem:s26+$0x1970]  }
0x1f: {  	v5 =	vld [tilespmem:s26+$0x1900]  }
0x20: {  	v6 =	vld [tilespmem:s26+$0x1910]  }
0x21: {  	v4 =	vld [tilespmem:s26+$0x1920]  }
0x22: {  	v3 =	vld [tilespmem:s26+$0x1930]  }
0x23: {  	v0 =	vld [tilespmem:s26+$0x1940];
	v7 =	vmul.f32 $1.131370830e+01, v1  }
0x24: {  	v1 =	vld [tilespmem:s26+$0x1950];
	v5 =	vmul.f32 $1.131370830e+01, v5  }
0x25: {  	s29 =	simm.s32 $0x80;
	s28 =	simm.s32 $0x400;
	v2 =	vld [tilespmem:s26+$0x1960];
	v6 =	vmul.f32 $1.131370830e+01, v6;
	[tilespmem:s26+$0x11970] =	vst v7  }
.LBB2_3:
0x26: {  	p1 =	sne.s32 s28, $0xFE00;
	v7 =	vld [tilespmem:s29+$0x1970];
	[tilespmem:s26+$0x11900] =	vst v5;
	v4 =	vmul.f32 $1.131370830e+01, v4  }
0x27: {  	v5 =	vld [tilespmem:s29+$0x1900];
	[tilespmem:s26+$0x11910] =	vst v6;
	v3 =	vmul.f32 $1.131370830e+01, v3  }
0x28: {  	v6 =	vld [tilespmem:s29+$0x1910];
	[tilespmem:s26+$0x11920] =	vst v4;
	v0 =	vmul.f32 $1.131370830e+01, v0  }
.Ltmp0:
0x29: {  	v4 =	vld [tilespmem:s29+$0x1920];
	[tilespmem:s26+$0x11930] =	vst v3;
	v1 =	vmul.f32 $1.131370830e+01, v1;
	(pc) =	sbr.rel @p1 .LBB2_3-.Ltmp0, $4  }
0x2a: {  	v3 =	vld [tilespmem:s29+$0x1930];
	[tilespmem:s26+$0x11940] =	vst v0;
	v2 =	vmul.f32 $1.131370830e+01, v2  }
0x2b: {  	v0 =	vld [tilespmem:s29+$0x1940];
	v7 =	vmul.f32 $1.131370830e+01, v7;
	[tilespmem:s26+$0x11950] =	vst v1  }
0x2c: {  	v5 =	vmul.f32 $1.131370830e+01, v5;
	v1 =	vld [tilespmem:s29+$0x1950];
	[tilespmem:s26+$0x11960] =	vst v2;
	s26 =	smov.u32 s29  }
0x2d: {  	s29 =	sshra.s32 s28, $0x2;
	s28 =	sadd.s32 $0x200, s28;
	v6 =	vmul.f32 $1.131370830e+01, v6;
	v2 =	vld [tilespmem:s26+$0x1960];
	[tilespmem:s26+$0x11970] =	vst v7  }
0x2e: {  	v7 =	vld [tilespmem:s29+$0x1970];
	[tilespmem:s26+$0x11900] =	vst v5;
	v4 =	vmul.f32 $1.131370830e+01, v4  }
0x2f: {  	v5 =	vld [tilespmem:s29+$0x1900];
	[tilespmem:s26+$0x11910] =	vst v6;
	v3 =	vmul.f32 $1.131370830e+01, v3  }
0x30: {  	v6 =	vld [tilespmem:s29+$0x1910];
	[tilespmem:s26+$0x11920] =	vst v4;
	v0 =	vmul.f32 $1.131370830e+01, v0  }
0x31: {  	v4 =	vld [tilespmem:s29+$0x1920];
	[tilespmem:s26+$0x11930] =	vst v3;
	v1 =	vmul.f32 $1.131370830e+01, v1  }
0x32: {  	v3 =	vld [tilespmem:s29+$0x1930];
	[tilespmem:s26+$0x11940] =	vst v0;
	v2 =	vmul.f32 $1.131370830e+01, v2  }
0x33: {  	v0 =	vld [tilespmem:s29+$0x1940];
	[tilespmem:s26+$0x11950] =	vst v1;
	v7 =	vmul.f32 $1.131370830e+01, v7  }
0x34: {  	v1 =	vld [tilespmem:s29+$0x1950];
	[tilespmem:s26+$0x11960] =	vst v2;
	v2 =	vmul.f32 $1.131370830e+01, v5  }
0x35: {  	v5 =	vld [tilespmem:s29+$0x1960];
	v6 =	vmul.f32 $1.131370830e+01, v6;
	[tilespmem:s29+$0x11970] =	vst v7  }
0x36: {  	[tilespmem:s29+$0x11900] =	vst v2;
	v2 =	vmul.f32 $1.131370830e+01, v4  }
0x37: {  	[tilespmem:s29+$0x11910] =	vst v6;
	v3 =	vmul.f32 $1.131370830e+01, v3  }
0x38: {  	[tilespmem:s29+$0x11920] =	vst v2;
	v0 =	vmul.f32 $1.131370830e+01, v0  }
0x39: {  	s28 =	sshll.u32 s25, $0x9;
	[tilespmem:s29+$0x11930] =	vst v3;
	v1 =	vmul.f32 $1.131370830e+01, v1  }
0x3a: {  	s26 =	sadd.s32 s5, s28;
	[tilespmem:s29+$0x11940] =	vst v0;
	v0 =	vmul.f32 $1.131370830e+01, v5  }
0x3b: {  	s26 =	sshll.u32 s26, $0x4;
	[tilespmem:s29+$0x11950] =	vst v1  }
0x3c: {  	[tilespmem:s29+$0x11960] =	vst v0;
	s29 =	sadd.s32 s3, s26  }
0x3d: {  	[hbm4b:s29+s4] =	stream.linear.scatter [tilespmem:s19], [sflag:$0x3], $0x4000, $0x38;
	[tilespmem:$0x19900] =	vst v63  }
0x3e: {  	s29 =	simm.s32 @!p0 $0x4  }
0x3f: {  	_ =	swait.ge @!p0 [sflag:s29], $0x4000  }
0x40: {  	[sflag:s29] =	ssyncset.done @!p0 $0x0  }
0x41: {  	s30 =	simm.s32 $0x0;
	[sflag:s29] =	ssyncadd.s32 @!p0 $0xFFFFC000  }
0x42: {  	v1 =	vld [tilespmem:s30+$0x5970]  }
0x43: {  	v5 =	vld [tilespmem:s30+$0x5900]  }
0x44: {  	v6 =	vld [tilespmem:s30+$0x5910]  }
0x45: {  	v4 =	vld [tilespmem:s30+$0x5920]  }
0x46: {  	v3 =	vld [tilespmem:s30+$0x5930]  }
0x47: {  	v0 =	vld [tilespmem:s30+$0x5940];
	v7 =	vmul.f32 $1.131370830e+01, v1  }
0x48: {  	v1 =	vld [tilespmem:s30+$0x5950];
	v5 =	vmul.f32 $1.131370830e+01, v5  }
0x49: {  	s31 =	simm.s32 $0x400;
	s29 =	simm.s32 $0x80;
	v2 =	vld [tilespmem:s30+$0x5960];
	v6 =	vmul.f32 $1.131370830e+01, v6;
	[tilespmem:s30+$0x15970] =	vst v7  }
.LBB2_5:
0x4a: {  	p0 =	sne.s32 s31, $0xFE00;
	v7 =	vld [tilespmem:s29+$0x5970];
	[tilespmem:s30+$0x15900] =	vst v5;
	v4 =	vmul.f32 $1.131370830e+01, v4  }
0x4b: {  	v5 =	vld [tilespmem:s29+$0x5900];
	[tilespmem:s30+$0x15910] =	vst v6;
	v3 =	vmul.f32 $1.131370830e+01, v3  }
0x4c: {  	v6 =	vld [tilespmem:s29+$0x5910];
	[tilespmem:s30+$0x15920] =	vst v4;
	v0 =	vmul.f32 $1.131370830e+01, v0  }
.Ltmp1:
0x4d: {  	v4 =	vld [tilespmem:s29+$0x5920];
	[tilespmem:s30+$0x15930] =	vst v3;
	v1 =	vmul.f32 $1.131370830e+01, v1;
	(pc) =	sbr.rel @p0 .LBB2_5-.Ltmp1, $4  }
0x4e: {  	v3 =	vld [tilespmem:s29+$0x5930];
	[tilespmem:s30+$0x15940] =	vst v0;
	v2 =	vmul.f32 $1.131370830e+01, v2  }
0x4f: {  	v0 =	vld [tilespmem:s29+$0x5940];
	v7 =	vmul.f32 $1.131370830e+01, v7;
	[tilespmem:s30+$0x15950] =	vst v1  }
0x50: {  	v5 =	vmul.f32 $1.131370830e+01, v5;
	v1 =	vld [tilespmem:s29+$0x5950];
	[tilespmem:s30+$0x15960] =	vst v2;
	s30 =	smov.u32 s29  }
0x51: {  	s29 =	sshra.s32 s31, $0x2;
	s31 =	sadd.s32 $0x200, s31;
	v6 =	vmul.f32 $1.131370830e+01, v6;
	v2 =	vld [tilespmem:s30+$0x5960];
	[tilespmem:s30+$0x15970] =	vst v7  }
0x52: {  	v7 =	vld [tilespmem:s29+$0x5970];
	[tilespmem:s30+$0x15900] =	vst v5;
	v4 =	vmul.f32 $1.131370830e+01, v4  }
0x53: {  	v5 =	vld [tilespmem:s29+$0x5900];
	[tilespmem:s30+$0x15910] =	vst v6;
	v3 =	vmul.f32 $1.131370830e+01, v3  }
0x54: {  	v6 =	vld [tilespmem:s29+$0x5910];
	[tilespmem:s30+$0x15920] =	vst v4;
	v0 =	vmul.f32 $1.131370830e+01, v0  }
0x55: {  	v4 =	vld [tilespmem:s29+$0x5920];
	[tilespmem:s30+$0x15930] =	vst v3;
	v1 =	vmul.f32 $1.131370830e+01, v1  }
0x56: {  	v3 =	vld [tilespmem:s29+$0x5930];
	[tilespmem:s30+$0x15940] =	vst v0;
	v2 =	vmul.f32 $1.131370830e+01, v2  }
0x57: {  	v0 =	vld [tilespmem:s29+$0x5940];
	[tilespmem:s30+$0x15950] =	vst v1;
	v7 =	vmul.f32 $1.131370830e+01, v7  }
0x58: {  	v1 =	vld [tilespmem:s29+$0x5950];
	[tilespmem:s30+$0x15960] =	vst v2;
	v2 =	vmul.f32 $1.131370830e+01, v5  }
0x59: {  	v5 =	vld [tilespmem:s29+$0x5960];
	v6 =	vmul.f32 $1.131370830e+01, v6;
	[tilespmem:s29+$0x15970] =	vst v7  }
0x5a: {  	[tilespmem:s29+$0x15900] =	vst v2;
	v2 =	vmul.f32 $1.131370830e+01, v4  }
0x5b: {  	[tilespmem:s29+$0x15910] =	vst v6;
	v3 =	vmul.f32 $1.131370830e+01, v3  }
0x5c: {  	[tilespmem:s29+$0x15920] =	vst v2;
	v0 =	vmul.f32 $1.131370830e+01, v0  }
0x5d: {  	[tilespmem:s29+$0x15930] =	vst v3;
	v1 =	vmul.f32 $1.131370830e+01, v1  }
0x5e: {  	[tilespmem:s29+$0x15940] =	vst v0;
	v0 =	vmul.f32 $1.131370830e+01, v5  }
0x5f: {  	[tilespmem:s29+$0x15950] =	vst v1  }
0x60: {  	s26 =	sadd.s32 s26, s7;
	[tilespmem:s29+$0x15960] =	vst v0;
	s29 =	simm.s32 $0x0  }
0x61: {  	[hbm4b:s26+s29] =	stream.linear.scatter [tilespmem:s20], [sflag:$0x4], $0x4000, $0x38;
	[tilespmem:$0x19900] =	vst v63  }
0x62: {  	s26 =	sand.u32 $0x3FFFFE00, s28  }
0x63: {  	s29 =	sadd.s32 $0x200, s26  }
0x64: {  	[tilespmem:s16], [sflag:$0x1] =	stream.indirect.gather [hbm4b:s1+s15], $0x80, s29, s15, $0xb8;
	[tilespmem:$0x19900] =	vst v63  }
0x65: {  	_ =	swait.ge [sflag:s21], $0x8000  }
0x66: {  	[sflag:s21] =	ssyncset.done $0x0  }
0x67: {  	[sflag:s21] =	ssyncadd.s32 $0xFFFF8000  }
0x68: {  	_ =	swait.ge [sflag:s22], $0x4000  }
0x69: {  	[sflag:s22] =	ssyncset.done $0x0  }
0x6a: {  	s30 =	simm.s32 $0x0;
	[sflag:s22] =	ssyncadd.s32 $0xFFFFC000  }
0x6b: {  	v1 =	vld [tilespmem:s30+$0x9970]  }
0x6c: {  	v5 =	vld [tilespmem:s30+$0x9900]  }
0x6d: {  	v6 =	vld [tilespmem:s30+$0x9910]  }
0x6e: {  	v4 =	vld [tilespmem:s30+$0x9920]  }
0x6f: {  	v3 =	vld [tilespmem:s30+$0x9930]  }
0x70: {  	v0 =	vld [tilespmem:s30+$0x9940];
	v7 =	vmul.f32 $1.131370830e+01, v1  }
0x71: {  	v1 =	vld [tilespmem:s30+$0x9950];
	v5 =	vmul.f32 $1.131370830e+01, v5  }
0x72: {  	s31 =	simm.s32 $0x400;
	s29 =	simm.s32 $0x80;
	v2 =	vld [tilespmem:s30+$0x9960];
	v6 =	vmul.f32 $1.131370830e+01, v6;
	[tilespmem:s30+$0x11970] =	vst v7  }
.LBB2_7:
0x73: {  	p0 =	sne.s32 s31, $0xFE00;
	v7 =	vld [tilespmem:s29+$0x9970];
	[tilespmem:s30+$0x11900] =	vst v5;
	v4 =	vmul.f32 $1.131370830e+01, v4  }
0x74: {  	v5 =	vld [tilespmem:s29+$0x9900];
	[tilespmem:s30+$0x11910] =	vst v6;
	v3 =	vmul.f32 $1.131370830e+01, v3  }
0x75: {  	v6 =	vld [tilespmem:s29+$0x9910];
	[tilespmem:s30+$0x11920] =	vst v4;
	v0 =	vmul.f32 $1.131370830e+01, v0  }
.Ltmp2:
0x76: {  	v4 =	vld [tilespmem:s29+$0x9920];
	[tilespmem:s30+$0x11930] =	vst v3;
	v1 =	vmul.f32 $1.131370830e+01, v1;
	(pc) =	sbr.rel @p0 .LBB2_7-.Ltmp2, $4  }
0x77: {  	v3 =	vld [tilespmem:s29+$0x9930];
	[tilespmem:s30+$0x11940] =	vst v0;
	v2 =	vmul.f32 $1.131370830e+01, v2  }
0x78: {  	v0 =	vld [tilespmem:s29+$0x9940];
	v7 =	vmul.f32 $1.131370830e+01, v7;
	[tilespmem:s30+$0x11950] =	vst v1  }
0x79: {  	v5 =	vmul.f32 $1.131370830e+01, v5;
	v1 =	vld [tilespmem:s29+$0x9950];
	[tilespmem:s30+$0x11960] =	vst v2;
	s30 =	smov.u32 s29  }
0x7a: {  	s29 =	sshra.s32 s31, $0x2;
	s31 =	sadd.s32 $0x200, s31;
	v6 =	vmul.f32 $1.131370830e+01, v6;
	v2 =	vld [tilespmem:s30+$0x9960];
	[tilespmem:s30+$0x11970] =	vst v7  }
0x7b: {  	v7 =	vld [tilespmem:s29+$0x9970];
	[tilespmem:s30+$0x11900] =	vst v5;
	v4 =	vmul.f32 $1.131370830e+01, v4  }
0x7c: {  	v5 =	vld [tilespmem:s29+$0x9900];
	[tilespmem:s30+$0x11910] =	vst v6;
	v3 =	vmul.f32 $1.131370830e+01, v3  }
0x7d: {  	v6 =	vld [tilespmem:s29+$0x9910];
	[tilespmem:s30+$0x11920] =	vst v4;
	v0 =	vmul.f32 $1.131370830e+01, v0  }
0x7e: {  	v4 =	vld [tilespmem:s29+$0x9920];
	[tilespmem:s30+$0x11930] =	vst v3;
	v1 =	vmul.f32 $1.131370830e+01, v1  }
0x7f: {  	v3 =	vld [tilespmem:s29+$0x9930];
	[tilespmem:s30+$0x11940] =	vst v0;
	v2 =	vmul.f32 $1.131370830e+01, v2  }
0x80: {  	v0 =	vld [tilespmem:s29+$0x9940];
	[tilespmem:s30+$0x11950] =	vst v1;
	v7 =	vmul.f32 $1.131370830e+01, v7  }
0x81: {  	v1 =	vld [tilespmem:s29+$0x9950];
	[tilespmem:s30+$0x11960] =	vst v2;
	v2 =	vmul.f32 $1.131370830e+01, v5  }
0x82: {  	v5 =	vld [tilespmem:s29+$0x9960];
	v6 =	vmul.f32 $1.131370830e+01, v6;
	[tilespmem:s29+$0x11970] =	vst v7  }
0x83: {  	[tilespmem:s29+$0x11900] =	vst v2;
	v2 =	vmul.f32 $1.131370830e+01, v4  }
0x84: {  	[tilespmem:s29+$0x11910] =	vst v6;
	v3 =	vmul.f32 $1.131370830e+01, v3  }
0x85: {  	[tilespmem:s29+$0x11920] =	vst v2;
	v0 =	vmul.f32 $1.131370830e+01, v0  }
0x86: {  	[tilespmem:s29+$0x11930] =	vst v3;
	v1 =	vmul.f32 $1.131370830e+01, v1  }
0x87: {  	s28 =	sadd.s32 s28, s8;
	[tilespmem:s29+$0x11940] =	vst v0;
	v0 =	vmul.f32 $1.131370830e+01, v5  }
0x88: {  	s28 =	sshll.u32 s28, $0x4;
	[tilespmem:s29+$0x11950] =	vst v1  }
0x89: {  	s30 =	simm.s32 $0x0;
	[tilespmem:s29+$0x11960] =	vst v0;
	s29 =	sadd.s32 s3, s28  }
0x8a: {  	[hbm4b:s29+s30] =	stream.linear.scatter [tilespmem:s19], [sflag:$0x3], $0x4000, $0x38;
	[tilespmem:$0x19900] =	vst v63  }
0x8b: {  	_ =	swait.ge [sflag:s23], $0x4000  }
0x8c: {  	[sflag:s23] =	ssyncset.done $0x0  }
0x8d: {  	s30 =	simm.s32 $0x0;
	[sflag:s23] =	ssyncadd.s32 $0xFFFFC000  }
0x8e: {  	v1 =	vld [tilespmem:s30+$0xD970]  }
0x8f: {  	v5 =	vld [tilespmem:s30+$0xD900]  }
0x90: {  	v6 =	vld [tilespmem:s30+$0xD910]  }
0x91: {  	v4 =	vld [tilespmem:s30+$0xD920]  }
0x92: {  	v3 =	vld [tilespmem:s30+$0xD930]  }
0x93: {  	v0 =	vld [tilespmem:s30+$0xD940];
	v7 =	vmul.f32 $1.131370830e+01, v1  }
0x94: {  	v1 =	vld [tilespmem:s30+$0xD950];
	v5 =	vmul.f32 $1.131370830e+01, v5  }
0x95: {  	s31 =	simm.s32 $0x400;
	s29 =	simm.s32 $0x80;
	v2 =	vld [tilespmem:s30+$0xD960];
	v6 =	vmul.f32 $1.131370830e+01, v6;
	[tilespmem:s30+$0x15970] =	vst v7  }
.LBB2_9:
0x96: {  	p0 =	sne.s32 s31, $0xFE00;
	v7 =	vld [tilespmem:s29+$0xD970];
	[tilespmem:s30+$0x15900] =	vst v5;
	v4 =	vmul.f32 $1.131370830e+01, v4  }
0x97: {  	v5 =	vld [tilespmem:s29+$0xD900];
	[tilespmem:s30+$0x15910] =	vst v6;
	v3 =	vmul.f32 $1.131370830e+01, v3  }
0x98: {  	v6 =	vld [tilespmem:s29+$0xD910];
	[tilespmem:s30+$0x15920] =	vst v4;
	v0 =	vmul.f32 $1.131370830e+01, v0  }
.Ltmp3:
0x99: {  	v4 =	vld [tilespmem:s29+$0xD920];
	[tilespmem:s30+$0x15930] =	vst v3;
	v1 =	vmul.f32 $1.131370830e+01, v1;
	(pc) =	sbr.rel @p0 .LBB2_9-.Ltmp3, $4  }
0x9a: {  	v3 =	vld [tilespmem:s29+$0xD930];
	[tilespmem:s30+$0x15940] =	vst v0;
	v2 =	vmul.f32 $1.131370830e+01, v2  }
0x9b: {  	v0 =	vld [tilespmem:s29+$0xD940];
	v7 =	vmul.f32 $1.131370830e+01, v7;
	[tilespmem:s30+$0x15950] =	vst v1  }
0x9c: {  	v5 =	vmul.f32 $1.131370830e+01, v5;
	v1 =	vld [tilespmem:s29+$0xD950];
	[tilespmem:s30+$0x15960] =	vst v2;
	s30 =	smov.u32 s29  }
0x9d: {  	s29 =	sshra.s32 s31, $0x2;
	s31 =	sadd.s32 $0x200, s31;
	v6 =	vmul.f32 $1.131370830e+01, v6;
	v2 =	vld [tilespmem:s30+$0xD960];
	[tilespmem:s30+$0x15970] =	vst v7  }
0x9e: {  	v7 =	vld [tilespmem:s29+$0xD970];
	[tilespmem:s30+$0x15900] =	vst v5;
	v4 =	vmul.f32 $1.131370830e+01, v4  }
0x9f: {  	v5 =	vld [tilespmem:s29+$0xD900];
	[tilespmem:s30+$0x15910] =	vst v6;
	v3 =	vmul.f32 $1.131370830e+01, v3  }
0xa0: {  	v6 =	vld [tilespmem:s29+$0xD910];
	[tilespmem:s30+$0x15920] =	vst v4;
	v0 =	vmul.f32 $1.131370830e+01, v0  }
0xa1: {  	v4 =	vld [tilespmem:s29+$0xD920];
	[tilespmem:s30+$0x15930] =	vst v3;
	v1 =	vmul.f32 $1.131370830e+01, v1  }
0xa2: {  	v3 =	vld [tilespmem:s29+$0xD930];
	[tilespmem:s30+$0x15940] =	vst v0;
	v2 =	vmul.f32 $1.131370830e+01, v2  }
0xa3: {  	v0 =	vld [tilespmem:s29+$0xD940];
	[tilespmem:s30+$0x15950] =	vst v1;
	v7 =	vmul.f32 $1.131370830e+01, v7  }
0xa4: {  	v1 =	vld [tilespmem:s29+$0xD950];
	[tilespmem:s30+$0x15960] =	vst v2;
	v60 =	vmul.f32 $1.131370830e+01, v5  }
0xa5: {  	v61 =	vld [tilespmem:s29+$0xD960];
	v6 =	vmul.f32 $1.131370830e+01, v6;
	[tilespmem:s29+$0x15970] =	vst v7  }
0xa6: {  	[tilespmem:s29+$0x15900] =	vst v60;
	v62 =	vmul.f32 $1.131370830e+01, v4  }
0xa7: {  	[tilespmem:s29+$0x15910] =	vst v6;
	v3 =	vmul.f32 $1.131370830e+01, v3  }
0xa8: {  	p0 =	seq.s32 s25, $0xB;
	[tilespmem:s29+$0x15920] =	vst v62;
	v0 =	vmul.f32 $1.131370830e+01, v0  }
.Ltmp4:
0xa9: {  	[tilespmem:s29+$0x15930] =	vst v3;
	v1 =	vmul.f32 $1.131370830e+01, v1;
	(pc) =	sbr.rel @p0 .LBB2_12-.Ltmp4, $4  }
0xaa: {  	[tilespmem:s29+$0x15940] =	vst v0;
	v63 =	vmul.f32 $1.131370830e+01, v61  }
0xab: {  	s28 =	sand.u32 $0x1FFFF000, s28;
	[tilespmem:s29+$0x15950] =	vst v1  }
0xac: {  	s28 =	sadd.s32 s28, s7;
	[tilespmem:s29+$0x15960] =	vst v63  }
0xad: {  	[hbm4b:s28+s4] =	stream.linear.scatter [tilespmem:s20], [sflag:$0x4], $0x4000, $0x38;
	[tilespmem:$0x19900] =	vst v63  }
.Ltmp5:
0xae: {  	(pc) =	sbr.rel .LBB2_2-.Ltmp5, $3  }
0xaf: {  	_ =	sdelay $0x1  }
0xb0: {  	s26 =	sadd.s32 $0x300, s26;
	s25 =	sadd.s32 $0x1, s25  }
0xb1: {  	[tilespmem:s17], [sflag:$0x2] =	stream.indirect.gather [hbm4b:s1+s15], $0x80, s26, s15, $0xb8;
	[tilespmem:$0x19900] =	vst v63  }
.LBB2_12:
0xb2: {  	_ =	swait.ge [sflag:s18], $0x8000  }
0xb3: {  	[sflag:s18] =	ssyncset.done $0x0  }
0xb4: {  	[sflag:s18] =	ssyncadd.s32 $0xFFFF8000  }
0xb5: {  	_ =	swait.ge [sflag:s22], $0x4000  }
0xb6: {  	[sflag:s22] =	ssyncset.done $0x0  }
0xb7: {  	s26 =	simm.s32 $0x0;
	[sflag:s22] =	ssyncadd.s32 $0xFFFFC000  }
0xb8: {  	v1 =	vld [tilespmem:s26+$0x1970]  }
0xb9: {  	v5 =	vld [tilespmem:s26+$0x1900]  }
0xba: {  	v6 =	vld [tilespmem:s26+$0x1910]  }
0xbb: {  	v4 =	vld [tilespmem:s26+$0x1920]  }
0xbc: {  	v3 =	vld [tilespmem:s26+$0x1930]  }
0xbd: {  	v0 =	vld [tilespmem:s26+$0x1940];
	v7 =	vmul.f32 $1.131370830e+01, v1  }
0xbe: {  	v1 =	vld [tilespmem:s26+$0x1950];
	v5 =	vmul.f32 $1.131370830e+01, v5  }
0xbf: {  	s25 =	simm.s32 $0x80;
	s28 =	simm.s32 $0x400;
	v2 =	vld [tilespmem:s26+$0x1960];
	v6 =	vmul.f32 $1.131370830e+01, v6;
	[tilespmem:s26+$0x11970] =	vst v7  }
.LBB2_13:
0xc0: {  	p0 =	sne.s32 s28, $0xFE00;
	v7 =	vld [tilespmem:s25+$0x1970];
	[tilespmem:s26+$0x11900] =	vst v5;
	v4 =	vmul.f32 $1.131370830e+01, v4  }
0xc1: {  	v5 =	vld [tilespmem:s25+$0x1900];
	[tilespmem:s26+$0x11910] =	vst v6;
	v3 =	vmul.f32 $1.131370830e+01, v3  }
0xc2: {  	v6 =	vld [tilespmem:s25+$0x1910];
	[tilespmem:s26+$0x11920] =	vst v4;
	v0 =	vmul.f32 $1.131370830e+01, v0  }
.Ltmp6:
0xc3: {  	v4 =	vld [tilespmem:s25+$0x1920];
	[tilespmem:s26+$0x11930] =	vst v3;
	v1 =	vmul.f32 $1.131370830e+01, v1;
	(pc) =	sbr.rel @p0 .LBB2_13-.Ltmp6, $4  }
0xc4: {  	v3 =	vld [tilespmem:s25+$0x1930];
	[tilespmem:s26+$0x11940] =	vst v0;
	v2 =	vmul.f32 $1.131370830e+01, v2  }
0xc5: {  	v0 =	vld [tilespmem:s25+$0x1940];
	v7 =	vmul.f32 $1.131370830e+01, v7;
	[tilespmem:s26+$0x11950] =	vst v1  }
0xc6: {  	v5 =	vmul.f32 $1.131370830e+01, v5;
	v1 =	vld [tilespmem:s25+$0x1950];
	[tilespmem:s26+$0x11960] =	vst v2;
	s26 =	smov.u32 s25  }
0xc7: {  	s25 =	sshra.s32 s28, $0x2;
	s28 =	sadd.s32 $0x200, s28;
	v6 =	vmul.f32 $1.131370830e+01, v6;
	v2 =	vld [tilespmem:s26+$0x1960];
	[tilespmem:s26+$0x11970] =	vst v7  }
0xc8: {  	v7 =	vld [tilespmem:s25+$0x1970];
	[tilespmem:s26+$0x11900] =	vst v5;
	v4 =	vmul.f32 $1.131370830e+01, v4  }
0xc9: {  	v5 =	vld [tilespmem:s25+$0x1900];
	[tilespmem:s26+$0x11910] =	vst v6;
	v3 =	vmul.f32 $1.131370830e+01, v3  }
0xca: {  	v6 =	vld [tilespmem:s25+$0x1910];
	[tilespmem:s26+$0x11920] =	vst v4;
	v0 =	vmul.f32 $1.131370830e+01, v0  }
0xcb: {  	v4 =	vld [tilespmem:s25+$0x1920];
	[tilespmem:s26+$0x11930] =	vst v3;
	v1 =	vmul.f32 $1.131370830e+01, v1  }
0xcc: {  	v3 =	vld [tilespmem:s25+$0x1930];
	[tilespmem:s26+$0x11940] =	vst v0;
	v2 =	vmul.f32 $1.131370830e+01, v2  }
0xcd: {  	v0 =	vld [tilespmem:s25+$0x1940];
	[tilespmem:s26+$0x11950] =	vst v1;
	v7 =	vmul.f32 $1.131370830e+01, v7  }
0xce: {  	v1 =	vld [tilespmem:s25+$0x1950];
	[tilespmem:s26+$0x11960] =	vst v2;
	v2 =	vmul.f32 $1.131370830e+01, v5  }
0xcf: {  	v5 =	vld [tilespmem:s25+$0x1960];
	v6 =	vmul.f32 $1.131370830e+01, v6;
	[tilespmem:s25+$0x11970] =	vst v7  }
0xd0: {  	[tilespmem:s25+$0x11900] =	vst v2;
	v2 =	vmul.f32 $1.131370830e+01, v4  }
0xd1: {  	[tilespmem:s25+$0x11910] =	vst v6;
	v3 =	vmul.f32 $1.131370830e+01, v3  }
0xd2: {  	[tilespmem:s25+$0x11920] =	vst v2;
	v0 =	vmul.f32 $1.131370830e+01, v0  }
0xd3: {  	[tilespmem:s25+$0x11930] =	vst v3;
	v1 =	vmul.f32 $1.131370830e+01, v1  }
0xd4: {  	[tilespmem:s25+$0x11940] =	vst v0;
	v0 =	vmul.f32 $1.131370830e+01, v5  }
0xd5: {  	[tilespmem:s25+$0x11950] =	vst v1  }
0xd6: {  	s31 =	simm.s32 $0x0;
	[tilespmem:s25+$0x11960] =	vst v0  }
0xd7: {  	[hbm4b:s9+s31] =	stream.linear.scatter [tilespmem:s19], [sflag:$0x3], $0x4000, $0x38;
	[tilespmem:$0x19900] =	vst v63  }
0xd8: {  	_ =	swait.ge [sflag:s23], $0x4000  }
0xd9: {  	[sflag:s23] =	ssyncset.done $0x0  }
0xda: {  	s26 =	simm.s32 $0x0;
	[sflag:s23] =	ssyncadd.s32 $0xFFFFC000  }
0xdb: {  	v1 =	vld [tilespmem:s26+$0x5970]  }
0xdc: {  	v5 =	vld [tilespmem:s26+$0x5900]  }
0xdd: {  	v6 =	vld [tilespmem:s26+$0x5910]  }
0xde: {  	v4 =	vld [tilespmem:s26+$0x5920]  }
0xdf: {  	v3 =	vld [tilespmem:s26+$0x5930]  }
0xe0: {  	v0 =	vld [tilespmem:s26+$0x5940];
	v7 =	vmul.f32 $1.131370830e+01, v1  }
0xe1: {  	v1 =	vld [tilespmem:s26+$0x5950];
	v5 =	vmul.f32 $1.131370830e+01, v5  }
0xe2: {  	s28 =	simm.s32 $0x400;
	s25 =	simm.s32 $0x80;
	v2 =	vld [tilespmem:s26+$0x5960];
	v6 =	vmul.f32 $1.131370830e+01, v6;
	[tilespmem:s26+$0x15970] =	vst v7  }
.LBB2_15:
0xe3: {  	p0 =	sne.s32 s28, $0xFE00;
	v7 =	vld [tilespmem:s25+$0x5970];
	[tilespmem:s26+$0x15900] =	vst v5;
	v4 =	vmul.f32 $1.131370830e+01, v4  }
0xe4: {  	v5 =	vld [tilespmem:s25+$0x5900];
	[tilespmem:s26+$0x15910] =	vst v6;
	v3 =	vmul.f32 $1.131370830e+01, v3  }
0xe5: {  	v6 =	vld [tilespmem:s25+$0x5910];
	[tilespmem:s26+$0x15920] =	vst v4;
	v0 =	vmul.f32 $1.131370830e+01, v0  }
.Ltmp7:
0xe6: {  	v4 =	vld [tilespmem:s25+$0x5920];
	[tilespmem:s26+$0x15930] =	vst v3;
	v1 =	vmul.f32 $1.131370830e+01, v1;
	(pc) =	sbr.rel @p0 .LBB2_15-.Ltmp7, $4  }
0xe7: {  	v3 =	vld [tilespmem:s25+$0x5930];
	[tilespmem:s26+$0x15940] =	vst v0;
	v2 =	vmul.f32 $1.131370830e+01, v2  }
0xe8: {  	v0 =	vld [tilespmem:s25+$0x5940];
	v7 =	vmul.f32 $1.131370830e+01, v7;
	[tilespmem:s26+$0x15950] =	vst v1  }
0xe9: {  	v5 =	vmul.f32 $1.131370830e+01, v5;
	v1 =	vld [tilespmem:s25+$0x5950];
	[tilespmem:s26+$0x15960] =	vst v2;
	s26 =	smov.u32 s25  }
0xea: {  	s25 =	sshra.s32 s28, $0x2;
	s28 =	sadd.s32 $0x200, s28;
	v6 =	vmul.f32 $1.131370830e+01, v6;
	v2 =	vld [tilespmem:s26+$0x5960];
	[tilespmem:s26+$0x15970] =	vst v7  }
0xeb: {  	v7 =	vld [tilespmem:s25+$0x5970];
	[tilespmem:s26+$0x15900] =	vst v5;
	v4 =	vmul.f32 $1.131370830e+01, v4  }
0xec: {  	v5 =	vld [tilespmem:s25+$0x5900];
	[tilespmem:s26+$0x15910] =	vst v6;
	v3 =	vmul.f32 $1.131370830e+01, v3  }
0xed: {  	v6 =	vld [tilespmem:s25+$0x5910];
	[tilespmem:s26+$0x15920] =	vst v4;
	v0 =	vmul.f32 $1.131370830e+01, v0  }
0xee: {  	v4 =	vld [tilespmem:s25+$0x5920];
	[tilespmem:s26+$0x15930] =	vst v3;
	v1 =	vmul.f32 $1.131370830e+01, v1  }
0xef: {  	v3 =	vld [tilespmem:s25+$0x5930];
	[tilespmem:s26+$0x15940] =	vst v0;
	v2 =	vmul.f32 $1.131370830e+01, v2  }
0xf0: {  	v0 =	vld [tilespmem:s25+$0x5940];
	[tilespmem:s26+$0x15950] =	vst v1;
	v7 =	vmul.f32 $1.131370830e+01, v7  }
0xf1: {  	v1 =	vld [tilespmem:s25+$0x5950];
	[tilespmem:s26+$0x15960] =	vst v2;
	v60 =	vmul.f32 $1.131370830e+01, v5  }
0xf2: {  	v61 =	vld [tilespmem:s25+$0x5960];
	v6 =	vmul.f32 $1.131370830e+01, v6;
	[tilespmem:s25+$0x15970] =	vst v7  }
0xf3: {  	[tilespmem:s25+$0x15900] =	vst v60;
	v62 =	vmul.f32 $1.131370830e+01, v4  }
0xf4: {  	[tilespmem:s25+$0x15910] =	vst v6;
	v3 =	vmul.f32 $1.131370830e+01, v3  }
0xf5: {  	[tilespmem:s25+$0x15920] =	vst v62;
	v0 =	vmul.f32 $1.131370830e+01, v0  }
0xf6: {  	[tilespmem:s25+$0x15930] =	vst v3;
	v1 =	vmul.f32 $1.131370830e+01, v1  }
0xf7: {  	[tilespmem:s25+$0x15940] =	vst v0;
	v63 =	vmul.f32 $1.131370830e+01, v61  }
0xf8: {  	[tilespmem:s25+$0x15950] =	vst v1  }
0xf9: {  	s24 =	sadd.s32 $0x1, s24;
	[tilespmem:s25+$0x15960] =	vst v63  }
0xfa: {  	[hbm4b:s10+s4] =	stream.linear.scatter [tilespmem:s20], [sflag:$0x4], $0x4000, $0x38;
	[tilespmem:$0x19900] =	vst v63  }
0xfb: {  	p0 =	sne.s32 s24, s11;
	_ =	swait.ge [sflag:s22], $0x4000  }
.Ltmp8:
0xfc: {  	[sflag:s22] =	ssyncset.done $0x0;
	(pc) =	sbr.rel @p0 .LBB2_1-.Ltmp8, $4  }
0xfd: {  	[sflag:s22] =	ssyncadd.s32 $0xFFFFC000  }
0xfe: {  	_ =	swait.ge [sflag:s23], $0x4000  }
0xff: {  	[sflag:s23] =	ssyncset.done $0x0  }
0x100: {  	[sflag:s23] =	ssyncadd.s32 $0xFFFFC000  }
0x101: {  	_ =	sfence.sel $0x180000  }
0x102: {  	[bflag:$0x0] =	sbarrier.arrive $0xFFFF  }
0x103: {  	p0 =	sne.s32 s0, $0x0;
	_ =	strace $0x90000047  }
0x104: {  	s0 =	sadd.s32 @!p0 $0x100000, s2;
	[bflag:$0x2] =	sbarrier.arrive $0xFFFF  }
0x105: {  	[sflag:s0] =	ssyncadd.tile.s32 @!p0 $0x1;
	_ =	shalt  }
.Lfunc_end2:
_tile_overlayer_lowered:
.L_overlay_start_2:
0x106: {  	(tag) =	ssettag $0x2  }
0x107: {  	s0 =	rddreg [dreg:$0x0];
	s2 =	stileid.u32  }
0x108: {  	s1 =	rddreg [dreg:$0x1];
	p0 =	sne.s32 s2, $0x0  }
0x109: {  	s3 =	rddreg [dreg:$0x2];
	[bflag:$0x3] =	sbarrier.arrive $0xFFFF;
	s2 =	simm.s32 @!p0 $0x1C05  }
0x10a: {  	[timem:s3], [sflag:s2] =	dma.local @!p0 [hbm:s0], s1  }
0x10b: {  	s0 =	simm.s32 @!p0 $0x5  }
0x10c: {  	_ =	swait.ge @!p0 [sflag:s0], s1  }
0x10d: {  	s1 =	ssub.s32 @!p0 $0x0, s1;
	[sflag:s0] =	ssyncset.done @!p0 $0x0  }
0x10e: {  	[sflag:s0] =	ssyncadd.s32 @!p0 s1  }
0x10f: {  	[bflag:$0x3] =	sbarrier.arrive $0xFFFF  }
0x110: {  	_ =	shalt  }

</sc_bundles>
